<compile_context>
chip_gen: v7x
topology: tpu7x:2x2x1
jax: 0.10.2.dev20260603
libtpu: 0.0.44.dev20260713+nightly
codegen_flags: <defaults>
</compile_context>

<pallas_src>
import jax
import jax.numpy as jnp
from jax import lax
from jax.experimental import pallas as pl
from jax.experimental.pallas import tpu as pltpu
from jax.experimental.pallas import tpu_sc as plsc

N = 1024
E = 16384
DIM = 64
T = 4

NUM_CORES = 2
NUM_SUBCORES = 16
LANES = 16

CBLK = 128
N_CBLK = N // CBLK
ROWS_PER_CORE = N // NUM_CORES
ROWS_PER_TILE = ROWS_PER_CORE // NUM_SUBCORES
EDGES_PER_TILE = E // NUM_SUBCORES
CHUNK = 128
N_CHUNKS = EDGES_PER_TILE // CHUNK
PART_WORDS = ROWS_PER_CORE * N
TILE_WORDS = ROWS_PER_TILE * N
BLK_WORDS = ROWS_PER_CORE * CBLK
TILE_BLK = ROWS_PER_TILE * CBLK
ZBUF = 8192


def _adj_body(edge_hbm, out_hbm, src_v, dst_v, idx_v, val_v, zero_v, sem,
              esem, part_s):
    c = lax.axis_index("c")
    s = lax.axis_index("s")
    row_lo = c * ROWS_PER_CORE

    zeros16 = jnp.zeros((LANES,), jnp.float32)

    def _zfill(i, carry):
        zero_v[pl.ds(i * LANES, LANES)] = zeros16
        return carry

    lax.fori_loop(0, ZBUF // LANES, _zfill, 0)
    zcps = [pltpu.async_copy(
        zero_v, part_s.at[pl.ds(s * TILE_WORDS + i * ZBUF, ZBUF)], sem)
        for i in range(TILE_WORDS // ZBUF)]
    ecps = [pltpu.async_copy(
        edge_hbm.at[r, pl.ds(s * EDGES_PER_TILE, EDGES_PER_TILE)], buf, esem)
        for r, buf in ((0, src_v), (1, dst_v))]
    for cp in ecps:
        cp.wait()

    lane = lax.iota(jnp.int32, LANES)

    def _edges(k, carry):
        dummy = s * EDGES_PER_TILE + k * LANES + lane
        src16 = src_v[pl.ds(k * LANES, LANES)]
        dst16 = dst_v[pl.ds(k * LANES, LANES)]
        local = src16 - row_lo
        keep = (local >= 0) & (local < ROWS_PER_CORE)
        g = lax.shift_right_logical(dst16, 7)
        l = lax.bitwise_and(dst16, CBLK - 1)
        flat = g * BLK_WORDS + local * CBLK + l
        flat = jnp.where(keep, flat, dummy)
        val = jnp.where(keep, 1.0, 0.0).astype(jnp.float32)
        j = k // (CHUNK // LANES)
        o = k % (CHUNK // LANES)
        idx_v[j, pl.ds(o * LANES, LANES)] = flat
        val_v[j, pl.ds(o * LANES, LANES)] = val
        return carry

    lax.fori_loop(0, EDGES_PER_TILE // LANES, _edges, 0)

    for cp in zcps:
        cp.wait()
    plsc.subcore_barrier()

    for j in range(N_CHUNKS):
        pltpu.sync_copy(val_v.at[j], part_s.at[idx_v.at[j]], add=True)

    plsc.subcore_barrier()

    dst_off = s * TILE_WORDS + (s // 2 + c) * BLK_WORDS
    pltpu.sync_copy(part_s.at[pl.ds(s * TILE_WORDS, TILE_WORDS)],
                    out_hbm.at[pl.ds(dst_off, TILE_WORDS)])


_build_adj = pl.kernel(
    _adj_body,
    out_type=jax.ShapeDtypeStruct((N * N,), jnp.float32),
    mesh=plsc.VectorSubcoreMesh(core_axis_name="c", subcore_axis_name="s"),
    scratch_types=[
        pltpu.VMEM((EDGES_PER_TILE,), jnp.int32),
        pltpu.VMEM((EDGES_PER_TILE,), jnp.int32),
        pltpu.VMEM((N_CHUNKS, CHUNK), jnp.int32),
        pltpu.VMEM((N_CHUNKS, CHUNK), jnp.float32),
        pltpu.VMEM((ZBUF,), jnp.float32),
        pltpu.SemaphoreType.DMA,
        pltpu.SemaphoreType.DMA,
        pltpu.VMEM_SHARED((PART_WORDS,), jnp.float32),
    ],
)


def _dense_body(adjt_ref, xv_ref, w1_ref, w2_ref, w3_ref, w4_ref, out_ref):
    f32 = jnp.float32
    dot_t = lambda a, b: lax.dot_general(
        a, b, (((1,), (1,)), ((), ())), preferred_element_type=f32)
    dot_n = lambda a, b: lax.dot_general(
        a, b, (((1,), (0,)), ((), ())), preferred_element_type=f32)
    blocks = [adjt_ref[pl.ds(g * N, N), :] for g in range(N_CBLK)]
    w4r = jnp.maximum(w4_ref[...], 0.0)
    c3 = dot_n(w3_ref[...], w4r)
    ones = jnp.ones((CBLK, 1), f32)
    deg = sum(dot_n(b, ones) for b in blocks)
    base = dot_t(xv_ref[...], w1_ref[...]) + dot_t(deg, c3)
    emb = jnp.maximum(base, 0.0)
    for _ in range(T - 1):
        ns = sum(dot_n(blocks[g],
                       lax.slice(emb, (g * CBLK, 0), ((g + 1) * CBLK, DIM)))
                 for g in range(N_CBLK))
        emb = jnp.maximum(base + dot_t(ns, w2_ref[...]), 0.0)
    out_ref[...] = emb


_dense = pl.pallas_call(
    _dense_body,
    out_shape=jax.ShapeDtypeStruct((N, DIM), jnp.float32),
)


@jax.jit
def kernel(Xv, edge_index, W1, W2, W3, W4):
    adj_t = _build_adj(edge_index).reshape(N_CBLK * N, CBLK)
    return _dense(adj_t, Xv, W1, W2, W3, W4)

# --- scband reference (transcript-rebuilt; emitter-appended) ---
"""Pipeline reference for scband-embedding-network-89567247991232 (READ-ONLY COPY).

The authoritative reference and input builder live on the scoring server;
editing this copy changes nothing except your own understanding.
"""

import jax, jax.numpy as jnp
import numpy as np

N = 1024
E = 16384
IN_DIM = 64
OUT_DIM = 64
T = 4
W_SCALE = 0.01


def setup_inputs(seed: int = 0) -> dict:
    key = jax.random.key(seed)
    k1, k2, k3, k4, k5, k6 = jax.random.split(key, 6)
    Xv = jax.random.normal(k1, (N, IN_DIM), dtype=jnp.float32)
    edge_index = jax.random.randint(k2, (2, E), 0, N, dtype=jnp.int32)
    W1 = W_SCALE * jax.random.normal(k3, (OUT_DIM, IN_DIM), dtype=jnp.float32)
    W2 = W_SCALE * jax.random.normal(k4, (OUT_DIM, OUT_DIM), dtype=jnp.float32)
    W3 = W_SCALE * jax.random.normal(k5, (OUT_DIM, OUT_DIM), dtype=jnp.float32)
    W4 = W_SCALE * jax.random.normal(k6, (OUT_DIM, 1), dtype=jnp.float32)
    return {"Xv": Xv, "edge_index": edge_index, "W1": W1, "W2": W2, "W3": W3, "W4": W4}


def reference(Xv, edge_index, W1, W2, W3, W4):
    n = Xv.shape[0]
    src = edge_index[0]
    dst = edge_index[1]
    # scipy COO -> torch sparse: duplicate edges accumulate (scatter-add)
    adj = jnp.zeros((n, n), dtype=jnp.float32).at[src, dst].add(1.0)
    graph_edge = adj[:, :, None]  # unsqueeze(graph, 2).to_dense()
    emb_matrix = jnp.zeros((n, OUT_DIM), dtype=jnp.float32)
    for t in range(T):
        neighbor_sum = adj @ emb_matrix          # torch.sparse.mm
        v1 = Xv @ W1.T                            # W1(Xv)
        v2 = neighbor_sum @ W2.T                  # W2(neighbor_sum)
        v3 = jax.nn.relu(graph_edge @ W4.T)       # relu(W4(graph_edge)) -> [n, n, out]
        v3 = jnp.sum(v3, axis=1) @ W3.T           # W3(sum over neighbors)
        v = v1 + v2 + v3
        emb_matrix = jax.nn.relu(v)
    return emb_matrix

if __name__ == "__main__":
    import jax
    _d = setup_inputs()
    print(jax.jit(kernel)(*tuple(_d.values())))

</pallas_src>

<mosaic_0001>
#map = affine_map<(d0, d1) -> (0, 0)>
#map1 = affine_map<(d0, d1) -> (0)>
module attributes {stable_mosaic.version = 14 : i64} {
  func.func @_adj_body(%arg0: i32, %arg1: i32, %arg2: memref<2x16384xi32, #tpu.memory_space<hbm>>, %arg3: memref<1048576xf32, #tpu.memory_space<hbm>>, %arg4: memref<1024xi32, #tpu.memory_space<vmem>>, %arg5: memref<1024xi32, #tpu.memory_space<vmem>>, %arg6: memref<8x128xi32, #tpu.memory_space<vmem>>, %arg7: memref<8x128xf32, #tpu.memory_space<vmem>>, %arg8: memref<8192xf32, #tpu.memory_space<vmem>>, %arg9: memref<!tpu.dma_semaphore, #tpu.memory_space<semaphore_mem>>, %arg10: memref<!tpu.dma_semaphore, #tpu.memory_space<semaphore_mem>>, %arg11: memref<524288xf32, #tpu.memory_space<vmem_shared>>) attributes {dimension_semantics = [#tpu.dimension_semantics<core_parallel>, #tpu.dimension_semantics<subcore_parallel>], iteration_bounds = array<i64: 2, 16>, scalar_prefetch = 0 : i64, scratch_operands = 8 : i64, tpu.core_type = #tpu.core_type<sc_vector_subcore>, window_params = [{transform_indices = #map}, {transform_indices = #map1}]} {
    %mul3A = arith.constant 512 : i32
    %mul3A_0 = arith.muli %arg0, %mul3A : i32
    %broadcast_in_dim3A = arith.constant 0.000000e+00 : f32
    %broadcast_in_dim3A_1 = vector.broadcast %broadcast_in_dim3A : f32 to vector<16xf32>
    %scan3A = arith.constant 0 : i32
    %scan3A_2 = arith.constant 0 : i32
    %scan3A_3 = arith.constant 512 : i32
    %scan3A_4 = arith.addi %scan3A_2, %scan3A_3 : i32
    %scan3A_5 = arith.constant 1 : i32
    scf.for %scan3A_106 = %scan3A_2 to %scan3A_4 step %scan3A_5  : i32 {
      %mul3A_107 = arith.constant 16 : i32
      %mul3A_108 = arith.muli %scan3A_106, %mul3A_107 : i32
      %swap3A = arith.index_cast %mul3A_108 : i32 to index
      %swap3A_109 = tpu.vector_load %arg8[%swap3A] {strides = array<i32>} : memref<8192xf32, #tpu.memory_space<vmem>>, vector<16xf32>,
      %swap3A_110 = vector.shape_cast %swap3A_109 : vector<16xf32> to vector<16xf32>
      %swap3A_111 = vector.shape_cast %broadcast_in_dim3A_1 : vector<16xf32> to vector<16xf32>
      tpu.vector_store %arg8[%swap3A], %swap3A_111 {strides = array<i32>} : memref<8192xf32, #tpu.memory_space<vmem>>, vector<16xf32>,
    }
    %scan3A_6 = arith.constant 512 : i32
    %mul3A_7 = arith.constant 32768 : i32
    %mul3A_8 = arith.muli %arg1, %mul3A_7 : i32
    %add3A = arith.constant 0 : i32
    %add3A_9 = arith.addi %mul3A_8, %add3A : i32
    %dma_start3A = tpu.memref_slice %arg11[%add3A_9] : memref<524288xf32, #tpu.memory_space<vmem_shared>> -> memref<8192xf32, #tpu.memory_space<vmem_shared>>
    %dma_start3A_10 = tpu.memref_slice %arg11[%add3A_9] : memref<524288xf32, #tpu.memory_space<vmem_shared>> -> memref<8192xf32, #tpu.memory_space<vmem_shared>>
    tpu.enqueue_dma source(%arg8 : memref<8192xf32, #tpu.memory_space<vmem>>) target(%dma_start3A_10 : memref<8192xf32, #tpu.memory_space<vmem_shared>>) target_semaphore(%arg9 : memref<!tpu.dma_semaphore, #tpu.memory_space<semaphore_mem>>)
    %mul3A_11 = arith.constant 32768 : i32
    %mul3A_12 = arith.muli %arg1, %mul3A_11 : i32
    %add3A_13 = arith.constant 8192 : i32
    %add3A_14 = arith.addi %mul3A_12, %add3A_13 : i32
    %dma_start3A_15 = tpu.memref_slice %arg11[%add3A_14] : memref<524288xf32, #tpu.memory_space<vmem_shared>> -> memref<8192xf32, #tpu.memory_space<vmem_shared>>
    %dma_start3A_16 = tpu.memref_slice %arg11[%add3A_14] : memref<524288xf32, #tpu.memory_space<vmem_shared>> -> memref<8192xf32, #tpu.memory_space<vmem_shared>>
    tpu.enqueue_dma source(%arg8 : memref<8192xf32, #tpu.memory_space<vmem>>) target(%dma_start3A_16 : memref<8192xf32, #tpu.memory_space<vmem_shared>>) target_semaphore(%arg9 : memref<!tpu.dma_semaphore, #tpu.memory_space<semaphore_mem>>)
    %mul3A_17 = arith.constant 32768 : i32
    %mul3A_18 = arith.muli %arg1, %mul3A_17 : i32
    %add3A_19 = arith.constant 16384 : i32
    %add3A_20 = arith.addi %mul3A_18, %add3A_19 : i32
    %dma_start3A_21 = tpu.memref_slice %arg11[%add3A_20] : memref<524288xf32, #tpu.memory_space<vmem_shared>> -> memref<8192xf32, #tpu.memory_space<vmem_shared>>
    %dma_start3A_22 = tpu.memref_slice %arg11[%add3A_20] : memref<524288xf32, #tpu.memory_space<vmem_shared>> -> memref<8192xf32, #tpu.memory_space<vmem_shared>>
    tpu.enqueue_dma source(%arg8 : memref<8192xf32, #tpu.memory_space<vmem>>) target(%dma_start3A_22 : memref<8192xf32, #tpu.memory_space<vmem_shared>>) target_semaphore(%arg9 : memref<!tpu.dma_semaphore, #tpu.memory_space<semaphore_mem>>)
    %mul3A_23 = arith.constant 32768 : i32
    %mul3A_24 = arith.muli %arg1, %mul3A_23 : i32
    %add3A_25 = arith.constant 24576 : i32
    %add3A_26 = arith.addi %mul3A_24, %add3A_25 : i32
    %dma_start3A_27 = tpu.memref_slice %arg11[%add3A_26] : memref<524288xf32, #tpu.memory_space<vmem_shared>> -> memref<8192xf32, #tpu.memory_space<vmem_shared>>
    %dma_start3A_28 = tpu.memref_slice %arg11[%add3A_26] : memref<524288xf32, #tpu.memory_space<vmem_shared>> -> memref<8192xf32, #tpu.memory_space<vmem_shared>>
    tpu.enqueue_dma source(%arg8 : memref<8192xf32, #tpu.memory_space<vmem>>) target(%dma_start3A_28 : memref<8192xf32, #tpu.memory_space<vmem_shared>>) target_semaphore(%arg9 : memref<!tpu.dma_semaphore, #tpu.memory_space<semaphore_mem>>)
    %mul3A_29 = arith.constant 1024 : i32
    %mul3A_30 = arith.muli %arg1, %mul3A_29 : i32
    %dma_start3A_31 = arith.constant 0 : i32
    %dma_start3A_32 = tpu.memref_slice %arg2[%dma_start3A_31, %mul3A_30] : memref<2x16384xi32, #tpu.memory_space<hbm>> -> memref<1x1024xi32, #tpu.memory_space<hbm>>
    %dma_start3A_33 = tpu.memref_squeeze %dma_start3A_32 : memref<1x1024xi32, #tpu.memory_space<hbm>> -> memref<1024xi32, #tpu.memory_space<hbm>>
    %dma_start3A_34 = tpu.memref_slice %arg2[%dma_start3A_31, %mul3A_30] : memref<2x16384xi32, #tpu.memory_space<hbm>> -> memref<1x1024xi32, #tpu.memory_space<hbm>>
    %dma_start3A_35 = tpu.memref_squeeze %dma_start3A_34 : memref<1x1024xi32, #tpu.memory_space<hbm>> -> memref<1024xi32, #tpu.memory_space<hbm>>
    tpu.enqueue_dma source(%dma_start3A_35 : memref<1024xi32, #tpu.memory_space<hbm>>) target(%arg4 : memref<1024xi32, #tpu.memory_space<vmem>>) target_semaphore(%arg10 : memref<!tpu.dma_semaphore, #tpu.memory_space<semaphore_mem>>)
    %mul3A_36 = arith.constant 1024 : i32
    %mul3A_37 = arith.muli %arg1, %mul3A_36 : i32
    %dma_start3A_38 = arith.constant 1 : i32
    %dma_start3A_39 = tpu.memref_slice %arg2[%dma_start3A_38, %mul3A_37] : memref<2x16384xi32, #tpu.memory_space<hbm>> -> memref<1x1024xi32, #tpu.memory_space<hbm>>
    %dma_start3A_40 = tpu.memref_squeeze %dma_start3A_39 : memref<1x1024xi32, #tpu.memory_space<hbm>> -> memref<1024xi32, #tpu.memory_space<hbm>>
    %dma_start3A_41 = tpu.memref_slice %arg2[%dma_start3A_38, %mul3A_37] : memref<2x16384xi32, #tpu.memory_space<hbm>> -> memref<1x1024xi32, #tpu.memory_space<hbm>>
    %dma_start3A_42 = tpu.memref_squeeze %dma_start3A_41 : memref<1x1024xi32, #tpu.memory_space<hbm>> -> memref<1024xi32, #tpu.memory_space<hbm>>
    tpu.enqueue_dma source(%dma_start3A_42 : memref<1024xi32, #tpu.memory_space<hbm>>) target(%arg5 : memref<1024xi32, #tpu.memory_space<vmem>>) target_semaphore(%arg10 : memref<!tpu.dma_semaphore, #tpu.memory_space<semaphore_mem>>)
    %dma_wait3A = arith.constant 0 : i32
    %dma_wait3A_43 = tpu.memref_slice %arg2[%dma_wait3A, %mul3A_30] : memref<2x16384xi32, #tpu.memory_space<hbm>> -> memref<1x1024xi32, #tpu.memory_space<hbm>>
    %dma_wait3A_44 = tpu.memref_squeeze %dma_wait3A_43 : memref<1x1024xi32, #tpu.memory_space<hbm>> -> memref<1024xi32, #tpu.memory_space<hbm>>
    %dma_wait3A_45 = tpu.memref_slice %arg2[%dma_wait3A, %mul3A_30] : memref<2x16384xi32, #tpu.memory_space<hbm>> -> memref<1x1024xi32, #tpu.memory_space<hbm>>
    %dma_wait3A_46 = tpu.memref_squeeze %dma_wait3A_45 : memref<1x1024xi32, #tpu.memory_space<hbm>> -> memref<1024xi32, #tpu.memory_space<hbm>>
    tpu.wait_dma2 semaphore(%arg10 : memref<!tpu.dma_semaphore, #tpu.memory_space<semaphore_mem>>) src(%dma_wait3A_46 : memref<1024xi32, #tpu.memory_space<hbm>>) dst(%arg4 : memref<1024xi32, #tpu.memory_space<vmem>>)
    %dma_wait3A_47 = arith.constant 1 : i32
    %dma_wait3A_48 = tpu.memref_slice %arg2[%dma_wait3A_47, %mul3A_37] : memref<2x16384xi32, #tpu.memory_space<hbm>> -> memref<1x1024xi32, #tpu.memory_space<hbm>>
    %dma_wait3A_49 = tpu.memref_squeeze %dma_wait3A_48 : memref<1x1024xi32, #tpu.memory_space<hbm>> -> memref<1024xi32, #tpu.memory_space<hbm>>
    %dma_wait3A_50 = tpu.memref_slice %arg2[%dma_wait3A_47, %mul3A_37] : memref<2x16384xi32, #tpu.memory_space<hbm>> -> memref<1x1024xi32, #tpu.memory_space<hbm>>
    %dma_wait3A_51 = tpu.memref_squeeze %dma_wait3A_50 : memref<1x1024xi32, #tpu.memory_space<hbm>> -> memref<1024xi32, #tpu.memory_space<hbm>>
    tpu.wait_dma2 semaphore(%arg10 : memref<!tpu.dma_semaphore, #tpu.memory_space<semaphore_mem>>) src(%dma_wait3A_51 : memref<1024xi32, #tpu.memory_space<hbm>>) dst(%arg5 : memref<1024xi32, #tpu.memory_space<vmem>>)
    %iota3A = tpu.iota {dimensions = array<i32: 0>} : vector<16xi32>
    %scan3A_52 = arith.constant 0 : i32
    %scan3A_53 = arith.constant 0 : i32
    %scan3A_54 = arith.constant 64 : i32
    %scan3A_55 = arith.addi %scan3A_53, %scan3A_54 : i32
    %scan3A_56 = arith.constant 1 : i32
    scf.for %scan3A_106 = %scan3A_53 to %scan3A_55 step %scan3A_56  : i32 {
      %mul3A_107 = arith.constant 1024 : i32
      %mul3A_108 = arith.muli %arg1, %mul3A_107 : i32
      %mul3A_109 = arith.constant 16 : i32
      %mul3A_110 = arith.muli %scan3A_106, %mul3A_109 : i32
      %add3A_111 = arith.addi %mul3A_108, %mul3A_110 : i32
      %add3A_112 = vector.broadcast %add3A_111 : i32 to vector<16xi32>
      %add3A_113 = arith.addi %add3A_112, %iota3A : vector<16xi32>
      %mul3A_114 = arith.constant 16 : i32
      %mul3A_115 = arith.muli %scan3A_106, %mul3A_114 : i32
      %get3A = arith.index_cast %mul3A_115 : i32 to index
      %get3A_116 = tpu.vector_load %arg4[%get3A] {strides = array<i32>} : memref<1024xi32, #tpu.memory_space<vmem>>, vector<16xi32>,
      %get3A_117 = vector.shape_cast %get3A_116 : vector<16xi32> to vector<16xi32>
      %mul3A_118 = arith.constant 16 : i32
      %mul3A_119 = arith.muli %scan3A_106, %mul3A_118 : i32
      %get3A_120 = arith.index_cast %mul3A_119 : i32 to index
      %get3A_121 = tpu.vector_load %arg5[%get3A_120] {strides = array<i32>} : memref<1024xi32, #tpu.memory_space<vmem>>, vector<16xi32>,
      %get3A_122 = vector.shape_cast %get3A_121 : vector<16xi32> to vector<16xi32>
      %sub3A_123 = vector.broadcast %mul3A_0 : i32 to vector<16xi32>
      %sub3A_124 = arith.subi %get3A_117, %sub3A_123 : vector<16xi32>
      %ge3A = arith.constant 0 : i32
      %ge3A_125 = vector.broadcast %ge3A : i32 to vector<16xi32>
      %ge3A_126 = arith.cmpi sge, %sub3A_124, %ge3A_125 : vector<16xi32>
      %lt3A = arith.constant 512 : i32
      %lt3A_127 = vector.broadcast %lt3A : i32 to vector<16xi32>
      %lt3A_128 = arith.cmpi slt, %sub3A_124, %lt3A_127 : vector<16xi32>
      %and3A_129 = arith.andi %ge3A_126, %lt3A_128 : vector<16xi1>
      %shift_right_logical3A = arith.constant 7 : i32
      %shift_right_logical3A_130 = vector.broadcast %shift_right_logical3A : i32 to vector<16xi32>
      %shift_right_logical3A_131 = arith.shrui %get3A_122, %shift_right_logical3A_130 : vector<16xi32>
      %and3A_132 = arith.constant 127 : i32
      %and3A_133 = vector.broadcast %and3A_132 : i32 to vector<16xi32>
      %and3A_134 = arith.andi %get3A_122, %and3A_133 : vector<16xi32>
      %mul3A_135 = arith.constant 65536 : i32
      %mul3A_136 = vector.broadcast %mul3A_135 : i32 to vector<16xi32>
      %mul3A_137 = arith.muli %shift_right_logical3A_131, %mul3A_136 : vector<16xi32>
      %mul3A_138 = arith.constant 128 : i32
      %mul3A_139 = vector.broadcast %mul3A_138 : i32 to vector<16xi32>
      %mul3A_140 = arith.muli %sub3A_124, %mul3A_139 : vector<16xi32>
      %add3A_141 = arith.addi %mul3A_137, %mul3A_140 : vector<16xi32>
      %add3A_142 = arith.addi %add3A_141, %and3A_134 : vector<16xi32>
      %select_n3A_143 = arith.select %and3A_129, %add3A_142, %add3A_113 : vector<16xi1>, vector<16xi32>
      %jit3A_144 = arith.constant 1.000000e+00 : f32
      %jit3A_145 = arith.constant 0.000000e+00 : f32
      %broadcast_in_dim3A_146 = vector.broadcast %jit3A_144 : f32 to vector<16xf32>
      %broadcast_in_dim3A_147 = vector.broadcast %jit3A_145 : f32 to vector<16xf32>
      %select_n3A_148 = arith.select %and3A_129, %broadcast_in_dim3A_146, %broadcast_in_dim3A_147 : vector<16xi1>, vector<16xf32>
      %jit3A_149 = arith.constant 8 : i32
      %div3A_150 = arith.divsi %scan3A_106, %jit3A_149 : i32
      %sign3A_151 = arith.constant 0 : i32
      %sign3A_152 = arith.cmpi sgt, %scan3A_106, %sign3A_151 : i32
      %sign3A_153 = arith.extui %sign3A_152 : i1 to i32
      %sign3A_154 = arith.constant 0 : i32
      %sign3A_155 = arith.cmpi slt, %scan3A_106, %sign3A_154 : i32
      %sign3A_156 = arith.extui %sign3A_155 : i1 to i32
      %sign3A_157 = arith.subi %sign3A_153, %sign3A_156 : i32
      %sign3A_158 = arith.constant 0 : i32
      %sign3A_159 = arith.cmpi sgt, %jit3A_149, %sign3A_158 : i32
      %sign3A_160 = arith.extui %sign3A_159 : i1 to i32
      %sign3A_161 = arith.constant 0 : i32
      %sign3A_162 = arith.cmpi slt, %jit3A_149, %sign3A_161 : i32
      %sign3A_163 = arith.extui %sign3A_162 : i1 to i32
      %sign3A_164 = arith.subi %sign3A_160, %sign3A_163 : i32
      %ne3A_165 = arith.cmpi ne, %sign3A_157, %sign3A_164 : i32
      %rem3A_166 = arith.remsi %scan3A_106, %jit3A_149 : i32
      %ne3A_167 = arith.constant 0 : i32
      %ne3A_168 = arith.cmpi ne, %rem3A_166, %ne3A_167 : i32
      %and3A_169 = arith.andi %ne3A_165, %ne3A_168 : i1
      %sub3A_170 = arith.constant 1 : i32
      %sub3A_171 = arith.subi %div3A_150, %sub3A_170 : i32
      %select_n3A_172 = arith.select %and3A_169, %sub3A_171, %div3A_150 : i32
      %jit3A_173 = arith.constant 8 : i32
      %eq3A = arith.constant 0 : i32
      %eq3A_174 = arith.cmpi eq, %jit3A_173, %eq3A : i32
      %jit3A_175 = arith.constant 1 : i32
      %select_n3A_176 = arith.select %eq3A_174, %jit3A_175, %jit3A_173 : i32
      %rem3A_177 = arith.remsi %scan3A_106, %select_n3A_176 : i32
      %ne3A_178 = arith.constant 0 : i32
      %ne3A_179 = arith.cmpi ne, %rem3A_177, %ne3A_178 : i32
      %lt3A_180 = arith.constant 0 : i32
      %lt3A_181 = arith.cmpi slt, %rem3A_177, %lt3A_180 : i32
      %lt3A_182 = arith.constant 0 : i32
      %lt3A_183 = arith.cmpi slt, %select_n3A_176, %lt3A_182 : i32
      %ne3A_184 = arith.xori %lt3A_181, %lt3A_183 : i1
      %and3A_185 = arith.andi %ne3A_184, %ne3A_179 : i1
      %add3A_186 = arith.addi %rem3A_177, %select_n3A_176 : i32
      %select_n3A_187 = arith.select %and3A_185, %add3A_186, %rem3A_177 : i32
      %mul3A_188 = arith.constant 16 : i32
      %mul3A_189 = arith.muli %select_n3A_187, %mul3A_188 : i32
      %swap3A = arith.index_cast %select_n3A_172 : i32 to index
      %swap3A_190 = arith.index_cast %mul3A_189 : i32 to index
      %swap3A_191 = tpu.vector_load %arg6[%swap3A, %swap3A_190] {strides = array<i32>} : memref<8x128xi32, #tpu.memory_space<vmem>>, vector<1x16xi32>,
      %swap3A_192 = vector.shape_cast %swap3A_191 : vector<1x16xi32> to vector<16xi32>
      %swap3A_193 = vector.shape_cast %select_n3A_143 : vector<16xi32> to vector<1x16xi32>
      tpu.vector_store %arg6[%swap3A, %swap3A_190], %swap3A_193 {strides = array<i32>} : memref<8x128xi32, #tpu.memory_space<vmem>>, vector<1x16xi32>,
      %mul3A_194 = arith.constant 16 : i32
      %mul3A_195 = arith.muli %select_n3A_187, %mul3A_194 : i32
      %swap3A_196 = arith.index_cast %select_n3A_172 : i32 to index
      %swap3A_197 = arith.index_cast %mul3A_195 : i32 to index
      %swap3A_198 = tpu.vector_load %arg7[%swap3A_196, %swap3A_197] {strides = array<i32>} : memref<8x128xf32, #tpu.memory_space<vmem>>, vector<1x16xf32>,
      %swap3A_199 = vector.shape_cast %swap3A_198 : vector<1x16xf32> to vector<16xf32>
      %swap3A_200 = vector.shape_cast %select_n3A_148 : vector<16xf32> to vector<1x16xf32>
      tpu.vector_store %arg7[%swap3A_196, %swap3A_197], %swap3A_200 {strides = array<i32>} : memref<8x128xf32, #tpu.memory_space<vmem>>, vector<1x16xf32>,
    }
    %scan3A_57 = arith.constant 64 : i32
    %dma_wait3A_58 = tpu.memref_slice %arg11[%add3A_9] : memref<524288xf32, #tpu.memory_space<vmem_shared>> -> memref<8192xf32, #tpu.memory_space<vmem_shared>>
    %dma_wait3A_59 = tpu.memref_slice %arg11[%add3A_9] : memref<524288xf32, #tpu.memory_space<vmem_shared>> -> memref<8192xf32, #tpu.memory_space<vmem_shared>>
    tpu.wait_dma2 semaphore(%arg9 : memref<!tpu.dma_semaphore, #tpu.memory_space<semaphore_mem>>) src(%arg8 : memref<8192xf32, #tpu.memory_space<vmem>>) dst(%dma_wait3A_59 : memref<8192xf32, #tpu.memory_space<vmem_shared>>)
    %dma_wait3A_60 = tpu.memref_slice %arg11[%add3A_14] : memref<524288xf32, #tpu.memory_space<vmem_shared>> -> memref<8192xf32, #tpu.memory_space<vmem_shared>>
    %dma_wait3A_61 = tpu.memref_slice %arg11[%add3A_14] : memref<524288xf32, #tpu.memory_space<vmem_shared>> -> memref<8192xf32, #tpu.memory_space<vmem_shared>>
    tpu.wait_dma2 semaphore(%arg9 : memref<!tpu.dma_semaphore, #tpu.memory_space<semaphore_mem>>) src(%arg8 : memref<8192xf32, #tpu.memory_space<vmem>>) dst(%dma_wait3A_61 : memref<8192xf32, #tpu.memory_space<vmem_shared>>)
    %dma_wait3A_62 = tpu.memref_slice %arg11[%add3A_20] : memref<524288xf32, #tpu.memory_space<vmem_shared>> -> memref<8192xf32, #tpu.memory_space<vmem_shared>>
    %dma_wait3A_63 = tpu.memref_slice %arg11[%add3A_20] : memref<524288xf32, #tpu.memory_space<vmem_shared>> -> memref<8192xf32, #tpu.memory_space<vmem_shared>>
    tpu.wait_dma2 semaphore(%arg9 : memref<!tpu.dma_semaphore, #tpu.memory_space<semaphore_mem>>) src(%arg8 : memref<8192xf32, #tpu.memory_space<vmem>>) dst(%dma_wait3A_63 : memref<8192xf32, #tpu.memory_space<vmem_shared>>)
    %dma_wait3A_64 = tpu.memref_slice %arg11[%add3A_26] : memref<524288xf32, #tpu.memory_space<vmem_shared>> -> memref<8192xf32, #tpu.memory_space<vmem_shared>>
    %dma_wait3A_65 = tpu.memref_slice %arg11[%add3A_26] : memref<524288xf32, #tpu.memory_space<vmem_shared>> -> memref<8192xf32, #tpu.memory_space<vmem_shared>>
    tpu.wait_dma2 semaphore(%arg9 : memref<!tpu.dma_semaphore, #tpu.memory_space<semaphore_mem>>) src(%arg8 : memref<8192xf32, #tpu.memory_space<vmem>>) dst(%dma_wait3A_65 : memref<8192xf32, #tpu.memory_space<vmem_shared>>)
    %barrier3A = arith.constant 0 : index
    tpu.barrier barrier_id(%barrier3A)
    %run_scoped3A = arith.constant 0 : i32
    %run_scoped3A_66 = arith.constant 0 : i32
    "tpu.region"() ({
      %run_scoped3A_106 = tpu.sem_alloc : memref<!tpu.dma_semaphore, #tpu.memory_space<semaphore_mem>>
      %dma_start3A_107 = arith.constant 0 : i32
      %dma_start3A_108 = tpu.memref_slice %arg7[%run_scoped3A, %dma_start3A_107] : memref<8x128xf32, #tpu.memory_space<vmem>> -> memref<1x128xf32, #tpu.memory_space<vmem>>
      %dma_start3A_109 = tpu.memref_squeeze %dma_start3A_108 : memref<1x128xf32, #tpu.memory_space<vmem>> -> memref<128xf32, #tpu.memory_space<vmem>>
      %dma_start3A_110 = arith.constant 0 : i32
      %dma_start3A_111 = tpu.memref_slice %arg6[%run_scoped3A_66, %dma_start3A_110] : memref<8x128xi32, #tpu.memory_space<vmem>> -> memref<1x128xi32, #tpu.memory_space<vmem>>
      %dma_start3A_112 = tpu.memref_squeeze %dma_start3A_111 : memref<1x128xi32, #tpu.memory_space<vmem>> -> memref<128xi32, #tpu.memory_space<vmem>>
      %dma_start3A_113 = arith.constant 0 : i32
      %dma_start3A_114 = tpu.memref_slice %arg11[%dma_start3A_113] : memref<524288xf32, #tpu.memory_space<vmem_shared>> -> memref<524288xf32, #tpu.memory_space<vmem_shared>>
      tpu.enqueue_indirect_dma source(%dma_start3A_109 : memref<128xf32, #tpu.memory_space<vmem>>) target(%dma_start3A_114 : memref<524288xf32, #tpu.memory_space<vmem_shared>>) offsets(%dma_start3A_112 : memref<128xi32, #tpu.memory_space<vmem>>) semaphore(%run_scoped3A_106 : memref<!tpu.dma_semaphore, #tpu.memory_space<semaphore_mem>>) {add = true}
      %dma_wait3A_115 = arith.constant 0 : i32
      %dma_wait3A_116 = tpu.memref_slice %arg7[%run_scoped3A, %dma_wait3A_115] : memref<8x128xf32, #tpu.memory_space<vmem>> -> memref<1x128xf32, #tpu.memory_space<vmem>>
      %dma_wait3A_117 = tpu.memref_squeeze %dma_wait3A_116 : memref<1x128xf32, #tpu.memory_space<vmem>> -> memref<128xf32, #tpu.memory_space<vmem>>
      %dma_wait3A_118 = arith.constant 0 : i32
      %dma_wait3A_119 = tpu.memref_slice %arg6[%run_scoped3A_66, %dma_wait3A_118] : memref<8x128xi32, #tpu.memory_space<vmem>> -> memref<1x128xi32, #tpu.memory_space<vmem>>
      %dma_wait3A_120 = tpu.memref_squeeze %dma_wait3A_119 : memref<1x128xi32, #tpu.memory_space<vmem>> -> memref<128xi32, #tpu.memory_space<vmem>>
      %dma_wait3A_121 = arith.constant 0 : i32
      %dma_wait3A_122 = tpu.memref_slice %arg11[%dma_wait3A_121] : memref<524288xf32, #tpu.memory_space<vmem_shared>> -> memref<524288xf32, #tpu.memory_space<vmem_shared>>
      tpu.wait_indirect_dma semaphore(%run_scoped3A_106 : memref<!tpu.dma_semaphore, #tpu.memory_space<semaphore_mem>>) src(%dma_wait3A_117 : memref<128xf32, #tpu.memory_space<vmem>>) dst(%dma_wait3A_122 : memref<524288xf32, #tpu.memory_space<vmem_shared>>)
      tpu.yield
    }) : () -> ()
    %run_scoped3A_67 = arith.constant 1 : i32
    %run_scoped3A_68 = arith.constant 1 : i32
    "tpu.region"() ({
      %run_scoped3A_106 = tpu.sem_alloc : memref<!tpu.dma_semaphore, #tpu.memory_space<semaphore_mem>>
      %dma_start3A_107 = arith.constant 0 : i32
      %dma_start3A_108 = tpu.memref_slice %arg7[%run_scoped3A_67, %dma_start3A_107] : memref<8x128xf32, #tpu.memory_space<vmem>> -> memref<1x128xf32, #tpu.memory_space<vmem>>
      %dma_start3A_109 = tpu.memref_squeeze %dma_start3A_108 : memref<1x128xf32, #tpu.memory_space<vmem>> -> memref<128xf32, #tpu.memory_space<vmem>>
      %dma_start3A_110 = arith.constant 0 : i32
      %dma_start3A_111 = tpu.memref_slice %arg6[%run_scoped3A_68, %dma_start3A_110] : memref<8x128xi32, #tpu.memory_space<vmem>> -> memref<1x128xi32, #tpu.memory_space<vmem>>
      %dma_start3A_112 = tpu.memref_squeeze %dma_start3A_111 : memref<1x128xi32, #tpu.memory_space<vmem>> -> memref<128xi32, #tpu.memory_space<vmem>>
      %dma_start3A_113 = arith.constant 0 : i32
      %dma_start3A_114 = tpu.memref_slice %arg11[%dma_start3A_113] : memref<524288xf32, #tpu.memory_space<vmem_shared>> -> memref<524288xf32, #tpu.memory_space<vmem_shared>>
      tpu.enqueue_indirect_dma source(%dma_start3A_109 : memref<128xf32, #tpu.memory_space<vmem>>) target(%dma_start3A_114 : memref<524288xf32, #tpu.memory_space<vmem_shared>>) offsets(%dma_start3A_112 : memref<128xi32, #tpu.memory_space<vmem>>) semaphore(%run_scoped3A_106 : memref<!tpu.dma_semaphore, #tpu.memory_space<semaphore_mem>>) {add = true}
      %dma_wait3A_115 = arith.constant 0 : i32
      %dma_wait3A_116 = tpu.memref_slice %arg7[%run_scoped3A_67, %dma_wait3A_115] : memref<8x128xf32, #tpu.memory_space<vmem>> -> memref<1x128xf32, #tpu.memory_space<vmem>>
      %dma_wait3A_117 = tpu.memref_squeeze %dma_wait3A_116 : memref<1x128xf32, #tpu.memory_space<vmem>> -> memref<128xf32, #tpu.memory_space<vmem>>
      %dma_wait3A_118 = arith.constant 0 : i32
      %dma_wait3A_119 = tpu.memref_slice %arg6[%run_scoped3A_68, %dma_wait3A_118] : memref<8x128xi32, #tpu.memory_space<vmem>> -> memref<1x128xi32, #tpu.memory_space<vmem>>
      %dma_wait3A_120 = tpu.memref_squeeze %dma_wait3A_119 : memref<1x128xi32, #tpu.memory_space<vmem>> -> memref<128xi32, #tpu.memory_space<vmem>>
      %dma_wait3A_121 = arith.constant 0 : i32
      %dma_wait3A_122 = tpu.memref_slice %arg11[%dma_wait3A_121] : memref<524288xf32, #tpu.memory_space<vmem_shared>> -> memref<524288xf32, #tpu.memory_space<vmem_shared>>
      tpu.wait_indirect_dma semaphore(%run_scoped3A_106 : memref<!tpu.dma_semaphore, #tpu.memory_space<semaphore_mem>>) src(%dma_wait3A_117 : memref<128xf32, #tpu.memory_space<vmem>>) dst(%dma_wait3A_122 : memref<524288xf32, #tpu.memory_space<vmem_shared>>)
      tpu.yield
    }) : () -> ()
    %run_scoped3A_69 = arith.constant 2 : i32
    %run_scoped3A_70 = arith.constant 2 : i32
    "tpu.region"() ({
      %run_scoped3A_106 = tpu.sem_alloc : memref<!tpu.dma_semaphore, #tpu.memory_space<semaphore_mem>>
      %dma_start3A_107 = arith.constant 0 : i32
      %dma_start3A_108 = tpu.memref_slice %arg7[%run_scoped3A_69, %dma_start3A_107] : memref<8x128xf32, #tpu.memory_space<vmem>> -> memref<1x128xf32, #tpu.memory_space<vmem>>
      %dma_start3A_109 = tpu.memref_squeeze %dma_start3A_108 : memref<1x128xf32, #tpu.memory_space<vmem>> -> memref<128xf32, #tpu.memory_space<vmem>>
      %dma_start3A_110 = arith.constant 0 : i32
      %dma_start3A_111 = tpu.memref_slice %arg6[%run_scoped3A_70, %dma_start3A_110] : memref<8x128xi32, #tpu.memory_space<vmem>> -> memref<1x128xi32, #tpu.memory_space<vmem>>
      %dma_start3A_112 = tpu.memref_squeeze %dma_start3A_111 : memref<1x128xi32, #tpu.memory_space<vmem>> -> memref<128xi32, #tpu.memory_space<vmem>>
      %dma_start3A_113 = arith.constant 0 : i32
      %dma_start3A_114 = tpu.memref_slice %arg11[%dma_start3A_113] : memref<524288xf32, #tpu.memory_space<vmem_shared>> -> memref<524288xf32, #tpu.memory_space<vmem_shared>>
      tpu.enqueue_indirect_dma source(%dma_start3A_109 : memref<128xf32, #tpu.memory_space<vmem>>) target(%dma_start3A_114 : memref<524288xf32, #tpu.memory_space<vmem_shared>>) offsets(%dma_start3A_112 : memref<128xi32, #tpu.memory_space<vmem>>) semaphore(%run_scoped3A_106 : memref<!tpu.dma_semaphore, #tpu.memory_space<semaphore_mem>>) {add = true}
      %dma_wait3A_115 = arith.constant 0 : i32
      %dma_wait3A_116 = tpu.memref_slice %arg7[%run_scoped3A_69, %dma_wait3A_115] : memref<8x128xf32, #tpu.memory_space<vmem>> -> memref<1x128xf32, #tpu.memory_space<vmem>>
      %dma_wait3A_117 = tpu.memref_squeeze %dma_wait3A_116 : memref<1x128xf32, #tpu.memory_space<vmem>> -> memref<128xf32, #tpu.memory_space<vmem>>
      %dma_wait3A_118 = arith.constant 0 : i32
      %dma_wait3A_119 = tpu.memref_slice %arg6[%run_scoped3A_70, %dma_wait3A_118] : memref<8x128xi32, #tpu.memory_space<vmem>> -> memref<1x128xi32, #tpu.memory_space<vmem>>
      %dma_wait3A_120 = tpu.memref_squeeze %dma_wait3A_119 : memref<1x128xi32, #tpu.memory_space<vmem>> -> memref<128xi32, #tpu.memory_space<vmem>>
      %dma_wait3A_121 = arith.constant 0 : i32
      %dma_wait3A_122 = tpu.memref_slice %arg11[%dma_wait3A_121] : memref<524288xf32, #tpu.memory_space<vmem_shared>> -> memref<524288xf32, #tpu.memory_space<vmem_shared>>
      tpu.wait_indirect_dma semaphore(%run_scoped3A_106 : memref<!tpu.dma_semaphore, #tpu.memory_space<semaphore_mem>>) src(%dma_wait3A_117 : memref<128xf32, #tpu.memory_space<vmem>>) dst(%dma_wait3A_122 : memref<524288xf32, #tpu.memory_space<vmem_shared>>)
      tpu.yield
    }) : () -> ()
    %run_scoped3A_71 = arith.constant 3 : i32
    %run_scoped3A_72 = arith.constant 3 : i32
    "tpu.region"() ({
      %run_scoped3A_106 = tpu.sem_alloc : memref<!tpu.dma_semaphore, #tpu.memory_space<semaphore_mem>>
      %dma_start3A_107 = arith.constant 0 : i32
      %dma_start3A_108 = tpu.memref_slice %arg7[%run_scoped3A_71, %dma_start3A_107] : memref<8x128xf32, #tpu.memory_space<vmem>> -> memref<1x128xf32, #tpu.memory_space<vmem>>
      %dma_start3A_109 = tpu.memref_squeeze %dma_start3A_108 : memref<1x128xf32, #tpu.memory_space<vmem>> -> memref<128xf32, #tpu.memory_space<vmem>>
      %dma_start3A_110 = arith.constant 0 : i32
      %dma_start3A_111 = tpu.memref_slice %arg6[%run_scoped3A_72, %dma_start3A_110] : memref<8x128xi32, #tpu.memory_space<vmem>> -> memref<1x128xi32, #tpu.memory_space<vmem>>
      %dma_start3A_112 = tpu.memref_squeeze %dma_start3A_111 : memref<1x128xi32, #tpu.memory_space<vmem>> -> memref<128xi32, #tpu.memory_space<vmem>>
      %dma_start3A_113 = arith.constant 0 : i32
      %dma_start3A_114 = tpu.memref_slice %arg11[%dma_start3A_113] : memref<524288xf32, #tpu.memory_space<vmem_shared>> -> memref<524288xf32, #tpu.memory_space<vmem_shared>>
      tpu.enqueue_indirect_dma source(%dma_start3A_109 : memref<128xf32, #tpu.memory_space<vmem>>) target(%dma_start3A_114 : memref<524288xf32, #tpu.memory_space<vmem_shared>>) offsets(%dma_start3A_112 : memref<128xi32, #tpu.memory_space<vmem>>) semaphore(%run_scoped3A_106 : memref<!tpu.dma_semaphore, #tpu.memory_space<semaphore_mem>>) {add = true}
      %dma_wait3A_115 = arith.constant 0 : i32
      %dma_wait3A_116 = tpu.memref_slice %arg7[%run_scoped3A_71, %dma_wait3A_115] : memref<8x128xf32, #tpu.memory_space<vmem>> -> memref<1x128xf32, #tpu.memory_space<vmem>>
      %dma_wait3A_117 = tpu.memref_squeeze %dma_wait3A_116 : memref<1x128xf32, #tpu.memory_space<vmem>> -> memref<128xf32, #tpu.memory_space<vmem>>
      %dma_wait3A_118 = arith.constant 0 : i32
      %dma_wait3A_119 = tpu.memref_slice %arg6[%run_scoped3A_72, %dma_wait3A_118] : memref<8x128xi32, #tpu.memory_space<vmem>> -> memref<1x128xi32, #tpu.memory_space<vmem>>
      %dma_wait3A_120 = tpu.memref_squeeze %dma_wait3A_119 : memref<1x128xi32, #tpu.memory_space<vmem>> -> memref<128xi32, #tpu.memory_space<vmem>>
      %dma_wait3A_121 = arith.constant 0 : i32
      %dma_wait3A_122 = tpu.memref_slice %arg11[%dma_wait3A_121] : memref<524288xf32, #tpu.memory_space<vmem_shared>> -> memref<524288xf32, #tpu.memory_space<vmem_shared>>
      tpu.wait_indirect_dma semaphore(%run_scoped3A_106 : memref<!tpu.dma_semaphore, #tpu.memory_space<semaphore_mem>>) src(%dma_wait3A_117 : memref<128xf32, #tpu.memory_space<vmem>>) dst(%dma_wait3A_122 : memref<524288xf32, #tpu.memory_space<vmem_shared>>)
      tpu.yield
    }) : () -> ()
    %run_scoped3A_73 = arith.constant 4 : i32
    %run_scoped3A_74 = arith.constant 4 : i32
    "tpu.region"() ({
      %run_scoped3A_106 = tpu.sem_alloc : memref<!tpu.dma_semaphore, #tpu.memory_space<semaphore_mem>>
      %dma_start3A_107 = arith.constant 0 : i32
      %dma_start3A_108 = tpu.memref_slice %arg7[%run_scoped3A_73, %dma_start3A_107] : memref<8x128xf32, #tpu.memory_space<vmem>> -> memref<1x128xf32, #tpu.memory_space<vmem>>
      %dma_start3A_109 = tpu.memref_squeeze %dma_start3A_108 : memref<1x128xf32, #tpu.memory_space<vmem>> -> memref<128xf32, #tpu.memory_space<vmem>>
      %dma_start3A_110 = arith.constant 0 : i32
      %dma_start3A_111 = tpu.memref_slice %arg6[%run_scoped3A_74, %dma_start3A_110] : memref<8x128xi32, #tpu.memory_space<vmem>> -> memref<1x128xi32, #tpu.memory_space<vmem>>
      %dma_start3A_112 = tpu.memref_squeeze %dma_start3A_111 : memref<1x128xi32, #tpu.memory_space<vmem>> -> memref<128xi32, #tpu.memory_space<vmem>>
      %dma_start3A_113 = arith.constant 0 : i32
      %dma_start3A_114 = tpu.memref_slice %arg11[%dma_start3A_113] : memref<524288xf32, #tpu.memory_space<vmem_shared>> -> memref<524288xf32, #tpu.memory_space<vmem_shared>>
      tpu.enqueue_indirect_dma source(%dma_start3A_109 : memref<128xf32, #tpu.memory_space<vmem>>) target(%dma_start3A_114 : memref<524288xf32, #tpu.memory_space<vmem_shared>>) offsets(%dma_start3A_112 : memref<128xi32, #tpu.memory_space<vmem>>) semaphore(%run_scoped3A_106 : memref<!tpu.dma_semaphore, #tpu.memory_space<semaphore_mem>>) {add = true}
      %dma_wait3A_115 = arith.constant 0 : i32
      %dma_wait3A_116 = tpu.memref_slice %arg7[%run_scoped3A_73, %dma_wait3A_115] : memref<8x128xf32, #tpu.memory_space<vmem>> -> memref<1x128xf32, #tpu.memory_space<vmem>>
      %dma_wait3A_117 = tpu.memref_squeeze %dma_wait3A_116 : memref<1x128xf32, #tpu.memory_space<vmem>> -> memref<128xf32, #tpu.memory_space<vmem>>
      %dma_wait3A_118 = arith.constant 0 : i32
      %dma_wait3A_119 = tpu.memref_slice %arg6[%run_scoped3A_74, %dma_wait3A_118] : memref<8x128xi32, #tpu.memory_space<vmem>> -> memref<1x128xi32, #tpu.memory_space<vmem>>
      %dma_wait3A_120 = tpu.memref_squeeze %dma_wait3A_119 : memref<1x128xi32, #tpu.memory_space<vmem>> -> memref<128xi32, #tpu.memory_space<vmem>>
      %dma_wait3A_121 = arith.constant 0 : i32
      %dma_wait3A_122 = tpu.memref_slice %arg11[%dma_wait3A_121] : memref<524288xf32, #tpu.memory_space<vmem_shared>> -> memref<524288xf32, #tpu.memory_space<vmem_shared>>
      tpu.wait_indirect_dma semaphore(%run_scoped3A_106 : memref<!tpu.dma_semaphore, #tpu.memory_space<semaphore_mem>>) src(%dma_wait3A_117 : memref<128xf32, #tpu.memory_space<vmem>>) dst(%dma_wait3A_122 : memref<524288xf32, #tpu.memory_space<vmem_shared>>)
      tpu.yield
    }) : () -> ()
    %run_scoped3A_75 = arith.constant 5 : i32
    %run_scoped3A_76 = arith.constant 5 : i32
    "tpu.region"() ({
      %run_scoped3A_106 = tpu.sem_alloc : memref<!tpu.dma_semaphore, #tpu.memory_space<semaphore_mem>>
      %dma_start3A_107 = arith.constant 0 : i32
      %dma_start3A_108 = tpu.memref_slice %arg7[%run_scoped3A_75, %dma_start3A_107] : memref<8x128xf32, #tpu.memory_space<vmem>> -> memref<1x128xf32, #tpu.memory_space<vmem>>
      %dma_start3A_109 = tpu.memref_squeeze %dma_start3A_108 : memref<1x128xf32, #tpu.memory_space<vmem>> -> memref<128xf32, #tpu.memory_space<vmem>>
      %dma_start3A_110 = arith.constant 0 : i32
      %dma_start3A_111 = tpu.memref_slice %arg6[%run_scoped3A_76, %dma_start3A_110] : memref<8x128xi32, #tpu.memory_space<vmem>> -> memref<1x128xi32, #tpu.memory_space<vmem>>
      %dma_start3A_112 = tpu.memref_squeeze %dma_start3A_111 : memref<1x128xi32, #tpu.memory_space<vmem>> -> memref<128xi32, #tpu.memory_space<vmem>>
      %dma_start3A_113 = arith.constant 0 : i32
      %dma_start3A_114 = tpu.memref_slice %arg11[%dma_start3A_113] : memref<524288xf32, #tpu.memory_space<vmem_shared>> -> memref<524288xf32, #tpu.memory_space<vmem_shared>>
      tpu.enqueue_indirect_dma source(%dma_start3A_109 : memref<128xf32, #tpu.memory_space<vmem>>) target(%dma_start3A_114 : memref<524288xf32, #tpu.memory_space<vmem_shared>>) offsets(%dma_start3A_112 : memref<128xi32, #tpu.memory_space<vmem>>) semaphore(%run_scoped3A_106 : memref<!tpu.dma_semaphore, #tpu.memory_space<semaphore_mem>>) {add = true}
      %dma_wait3A_115 = arith.constant 0 : i32
      %dma_wait3A_116 = tpu.memref_slice %arg7[%run_scoped3A_75, %dma_wait3A_115] : memref<8x128xf32, #tpu.memory_space<vmem>> -> memref<1x128xf32, #tpu.memory_space<vmem>>
      %dma_wait3A_117 = tpu.memref_squeeze %dma_wait3A_116 : memref<1x128xf32, #tpu.memory_space<vmem>> -> memref<128xf32, #tpu.memory_space<vmem>>
      %dma_wait3A_118 = arith.constant 0 : i32
      %dma_wait3A_119 = tpu.memref_slice %arg6[%run_scoped3A_76, %dma_wait3A_118] : memref<8x128xi32, #tpu.memory_space<vmem>> -> memref<1x128xi32, #tpu.memory_space<vmem>>
      %dma_wait3A_120 = tpu.memref_squeeze %dma_wait3A_119 : memref<1x128xi32, #tpu.memory_space<vmem>> -> memref<128xi32, #tpu.memory_space<vmem>>
      %dma_wait3A_121 = arith.constant 0 : i32
      %dma_wait3A_122 = tpu.memref_slice %arg11[%dma_wait3A_121] : memref<524288xf32, #tpu.memory_space<vmem_shared>> -> memref<524288xf32, #tpu.memory_space<vmem_shared>>
      tpu.wait_indirect_dma semaphore(%run_scoped3A_106 : memref<!tpu.dma_semaphore, #tpu.memory_space<semaphore_mem>>) src(%dma_wait3A_117 : memref<128xf32, #tpu.memory_space<vmem>>) dst(%dma_wait3A_122 : memref<524288xf32, #tpu.memory_space<vmem_shared>>)
      tpu.yield
    }) : () -> ()
    %run_scoped3A_77 = arith.constant 6 : i32
    %run_scoped3A_78 = arith.constant 6 : i32
    "tpu.region"() ({
      %run_scoped3A_106 = tpu.sem_alloc : memref<!tpu.dma_semaphore, #tpu.memory_space<semaphore_mem>>
      %dma_start3A_107 = arith.constant 0 : i32
      %dma_start3A_108 = tpu.memref_slice %arg7[%run_scoped3A_77, %dma_start3A_107] : memref<8x128xf32, #tpu.memory_space<vmem>> -> memref<1x128xf32, #tpu.memory_space<vmem>>
      %dma_start3A_109 = tpu.memref_squeeze %dma_start3A_108 : memref<1x128xf32, #tpu.memory_space<vmem>> -> memref<128xf32, #tpu.memory_space<vmem>>
      %dma_start3A_110 = arith.constant 0 : i32
      %dma_start3A_111 = tpu.memref_slice %arg6[%run_scoped3A_78, %dma_start3A_110] : memref<8x128xi32, #tpu.memory_space<vmem>> -> memref<1x128xi32, #tpu.memory_space<vmem>>
      %dma_start3A_112 = tpu.memref_squeeze %dma_start3A_111 : memref<1x128xi32, #tpu.memory_space<vmem>> -> memref<128xi32, #tpu.memory_space<vmem>>
      %dma_start3A_113 = arith.constant 0 : i32
      %dma_start3A_114 = tpu.memref_slice %arg11[%dma_start3A_113] : memref<524288xf32, #tpu.memory_space<vmem_shared>> -> memref<524288xf32, #tpu.memory_space<vmem_shared>>
      tpu.enqueue_indirect_dma source(%dma_start3A_109 : memref<128xf32, #tpu.memory_space<vmem>>) target(%dma_start3A_114 : memref<524288xf32, #tpu.memory_space<vmem_shared>>) offsets(%dma_start3A_112 : memref<128xi32, #tpu.memory_space<vmem>>) semaphore(%run_scoped3A_106 : memref<!tpu.dma_semaphore, #tpu.memory_space<semaphore_mem>>) {add = true}
      %dma_wait3A_115 = arith.constant 0 : i32
      %dma_wait3A_116 = tpu.memref_slice %arg7[%run_scoped3A_77, %dma_wait3A_115] : memref<8x128xf32, #tpu.memory_space<vmem>> -> memref<1x128xf32, #tpu.memory_space<vmem>>
      %dma_wait3A_117 = tpu.memref_squeeze %dma_wait3A_116 : memref<1x128xf32, #tpu.memory_space<vmem>> -> memref<128xf32, #tpu.memory_space<vmem>>
      %dma_wait3A_118 = arith.constant 0 : i32
      %dma_wait3A_119 = tpu.memref_slice %arg6[%run_scoped3A_78, %dma_wait3A_118] : memref<8x128xi32, #tpu.memory_space<vmem>> -> memref<1x128xi32, #tpu.memory_space<vmem>>
      %dma_wait3A_120 = tpu.memref_squeeze %dma_wait3A_119 : memref<1x128xi32, #tpu.memory_space<vmem>> -> memref<128xi32, #tpu.memory_space<vmem>>
      %dma_wait3A_121 = arith.constant 0 : i32
      %dma_wait3A_122 = tpu.memref_slice %arg11[%dma_wait3A_121] : memref<524288xf32, #tpu.memory_space<vmem_shared>> -> memref<524288xf32, #tpu.memory_space<vmem_shared>>
      tpu.wait_indirect_dma semaphore(%run_scoped3A_106 : memref<!tpu.dma_semaphore, #tpu.memory_space<semaphore_mem>>) src(%dma_wait3A_117 : memref<128xf32, #tpu.memory_space<vmem>>) dst(%dma_wait3A_122 : memref<524288xf32, #tpu.memory_space<vmem_shared>>)
      tpu.yield
    }) : () -> ()
    %run_scoped3A_79 = arith.constant 7 : i32
    %run_scoped3A_80 = arith.constant 7 : i32
    "tpu.region"() ({
      %run_scoped3A_106 = tpu.sem_alloc : memref<!tpu.dma_semaphore, #tpu.memory_space<semaphore_mem>>
      %dma_start3A_107 = arith.constant 0 : i32
      %dma_start3A_108 = tpu.memref_slice %arg7[%run_scoped3A_79, %dma_start3A_107] : memref<8x128xf32, #tpu.memory_space<vmem>> -> memref<1x128xf32, #tpu.memory_space<vmem>>
      %dma_start3A_109 = tpu.memref_squeeze %dma_start3A_108 : memref<1x128xf32, #tpu.memory_space<vmem>> -> memref<128xf32, #tpu.memory_space<vmem>>
      %dma_start3A_110 = arith.constant 0 : i32
      %dma_start3A_111 = tpu.memref_slice %arg6[%run_scoped3A_80, %dma_start3A_110] : memref<8x128xi32, #tpu.memory_space<vmem>> -> memref<1x128xi32, #tpu.memory_space<vmem>>
      %dma_start3A_112 = tpu.memref_squeeze %dma_start3A_111 : memref<1x128xi32, #tpu.memory_space<vmem>> -> memref<128xi32, #tpu.memory_space<vmem>>
      %dma_start3A_113 = arith.constant 0 : i32
      %dma_start3A_114 = tpu.memref_slice %arg11[%dma_start3A_113] : memref<524288xf32, #tpu.memory_space<vmem_shared>> -> memref<524288xf32, #tpu.memory_space<vmem_shared>>
      tpu.enqueue_indirect_dma source(%dma_start3A_109 : memref<128xf32, #tpu.memory_space<vmem>>) target(%dma_start3A_114 : memref<524288xf32, #tpu.memory_space<vmem_shared>>) offsets(%dma_start3A_112 : memref<128xi32, #tpu.memory_space<vmem>>) semaphore(%run_scoped3A_106 : memref<!tpu.dma_semaphore, #tpu.memory_space<semaphore_mem>>) {add = true}
      %dma_wait3A_115 = arith.constant 0 : i32
      %dma_wait3A_116 = tpu.memref_slice %arg7[%run_scoped3A_79, %dma_wait3A_115] : memref<8x128xf32, #tpu.memory_space<vmem>> -> memref<1x128xf32, #tpu.memory_space<vmem>>
      %dma_wait3A_117 = tpu.memref_squeeze %dma_wait3A_116 : memref<1x128xf32, #tpu.memory_space<vmem>> -> memref<128xf32, #tpu.memory_space<vmem>>
      %dma_wait3A_118 = arith.constant 0 : i32
      %dma_wait3A_119 = tpu.memref_slice %arg6[%run_scoped3A_80, %dma_wait3A_118] : memref<8x128xi32, #tpu.memory_space<vmem>> -> memref<1x128xi32, #tpu.memory_space<vmem>>
      %dma_wait3A_120 = tpu.memref_squeeze %dma_wait3A_119 : memref<1x128xi32, #tpu.memory_space<vmem>> -> memref<128xi32, #tpu.memory_space<vmem>>
      %dma_wait3A_121 = arith.constant 0 : i32
      %dma_wait3A_122 = tpu.memref_slice %arg11[%dma_wait3A_121] : memref<524288xf32, #tpu.memory_space<vmem_shared>> -> memref<524288xf32, #tpu.memory_space<vmem_shared>>
      tpu.wait_indirect_dma semaphore(%run_scoped3A_106 : memref<!tpu.dma_semaphore, #tpu.memory_space<semaphore_mem>>) src(%dma_wait3A_117 : memref<128xf32, #tpu.memory_space<vmem>>) dst(%dma_wait3A_122 : memref<524288xf32, #tpu.memory_space<vmem_shared>>)
      tpu.yield
    }) : () -> ()
    %barrier3A_81 = arith.constant 0 : index
    tpu.barrier barrier_id(%barrier3A_81)
    %mul3A_82 = arith.constant 32768 : i32
    %mul3A_83 = arith.muli %arg1, %mul3A_82 : i32
    %jit3A = arith.constant 2 : i32
    %div3A = arith.divsi %arg1, %jit3A : i32
    %sign3A = arith.constant 0 : i32
    %sign3A_84 = arith.cmpi sgt, %arg1, %sign3A : i32
    %sign3A_85 = arith.extui %sign3A_84 : i1 to i32
    %sign3A_86 = arith.constant 0 : i32
    %sign3A_87 = arith.cmpi slt, %arg1, %sign3A_86 : i32
    %sign3A_88 = arith.extui %sign3A_87 : i1 to i32
    %sign3A_89 = arith.subi %sign3A_85, %sign3A_88 : i32
    %sign3A_90 = arith.constant 0 : i32
    %sign3A_91 = arith.cmpi sgt, %jit3A, %sign3A_90 : i32
    %sign3A_92 = arith.extui %sign3A_91 : i1 to i32
    %sign3A_93 = arith.constant 0 : i32
    %sign3A_94 = arith.cmpi slt, %jit3A, %sign3A_93 : i32
    %sign3A_95 = arith.extui %sign3A_94 : i1 to i32
    %sign3A_96 = arith.subi %sign3A_92, %sign3A_95 : i32
    %ne3A = arith.cmpi ne, %sign3A_89, %sign3A_96 : i32
    %rem3A = arith.remsi %arg1, %jit3A : i32
    %ne3A_97 = arith.constant 0 : i32
    %ne3A_98 = arith.cmpi ne, %rem3A, %ne3A_97 : i32
    %and3A = arith.andi %ne3A, %ne3A_98 : i1
    %sub3A = arith.constant 1 : i32
    %sub3A_99 = arith.subi %div3A, %sub3A : i32
    %select_n3A = arith.select %and3A, %sub3A_99, %div3A : i32
    %add3A_100 = arith.addi %select_n3A, %arg0 : i32
    %mul3A_101 = arith.constant 65536 : i32
    %mul3A_102 = arith.muli %add3A_100, %mul3A_101 : i32
    %add3A_103 = arith.addi %mul3A_83, %mul3A_102 : i32
    %mul3A_104 = arith.constant 32768 : i32
    %mul3A_105 = arith.muli %arg1, %mul3A_104 : i32
    "tpu.region"() ({
      %run_scoped3A_106 = tpu.sem_alloc : memref<!tpu.dma_semaphore, #tpu.memory_space<semaphore_mem>>
      %dma_start3A_107 = tpu.memref_slice %arg3[%add3A_103] : memref<1048576xf32, #tpu.memory_space<hbm>> -> memref<32768xf32, #tpu.memory_space<hbm>>
      %dma_start3A_108 = tpu.memref_slice %arg11[%mul3A_105] : memref<524288xf32, #tpu.memory_space<vmem_shared>> -> memref<32768xf32, #tpu.memory_space<vmem_shared>>
      tpu.enqueue_dma source(%dma_start3A_108 : memref<32768xf32, #tpu.memory_space<vmem_shared>>) target(%dma_start3A_107 : memref<32768xf32, #tpu.memory_space<hbm>>) target_semaphore(%run_scoped3A_106 : memref<!tpu.dma_semaphore, #tpu.memory_space<semaphore_mem>>)
      %dma_wait3A_109 = tpu.memref_slice %arg3[%add3A_103] : memref<1048576xf32, #tpu.memory_space<hbm>> -> memref<32768xf32, #tpu.memory_space<hbm>>
      %dma_wait3A_110 = tpu.memref_slice %arg11[%mul3A_105] : memref<524288xf32, #tpu.memory_space<vmem_shared>> -> memref<32768xf32, #tpu.memory_space<vmem_shared>>
      tpu.wait_dma2 semaphore(%run_scoped3A_106 : memref<!tpu.dma_semaphore, #tpu.memory_space<semaphore_mem>>) src(%dma_wait3A_110 : memref<32768xf32, #tpu.memory_space<vmem_shared>>) dst(%dma_wait3A_109 : memref<32768xf32, #tpu.memory_space<hbm>>)
      tpu.yield
    }) : () -> ()
    return
  }
}

module attributes {stable_mosaic.version = 14 : i64} {
  func.func @_dense_body(%arg0: memref<8192x128xf32, #tpu.memory_space<vmem>>, %arg1: memref<1024x64xf32, #tpu.memory_space<vmem>>, %arg2: memref<64x64xf32, #tpu.memory_space<vmem>>, %arg3: memref<64x64xf32, #tpu.memory_space<vmem>>, %arg4: memref<64x64xf32, #tpu.memory_space<vmem>>, %arg5: memref<64x1xf32, #tpu.memory_space<vmem>>, %arg6: memref<1024x64xf32, #tpu.memory_space<vmem>>) attributes {dimension_semantics = [], scalar_prefetch = 0 : i64, scratch_operands = 0 : i64, tpu.core_type = #tpu.core_type<tc>} {
    %get3A = arith.constant 0 : index
    %get3A_0 = arith.constant 0 : index
    %get3A_1 = vector.load %arg0[%get3A, %get3A_0] : memref<8192x128xf32, #tpu.memory_space<vmem>>, vector<1024x128xf32>
    %get3A_2 = arith.constant 1024 : index
    %get3A_3 = arith.constant 0 : index
    %get3A_4 = vector.load %arg0[%get3A_2, %get3A_3] : memref<8192x128xf32, #tpu.memory_space<vmem>>, vector<1024x128xf32>
    %get3A_5 = arith.constant 2048 : index
    %get3A_6 = arith.constant 0 : index
    %get3A_7 = vector.load %arg0[%get3A_5, %get3A_6] : memref<8192x128xf32, #tpu.memory_space<vmem>>, vector<1024x128xf32>
    %get3A_8 = arith.constant 3072 : index
    %get3A_9 = arith.constant 0 : index
    %get3A_10 = vector.load %arg0[%get3A_8, %get3A_9] : memref<8192x128xf32, #tpu.memory_space<vmem>>, vector<1024x128xf32>
    %get3A_11 = arith.constant 4096 : index
    %get3A_12 = arith.constant 0 : index
    %get3A_13 = vector.load %arg0[%get3A_11, %get3A_12] : memref<8192x128xf32, #tpu.memory_space<vmem>>, vector<1024x128xf32>
    %get3A_14 = arith.constant 5120 : index
    %get3A_15 = arith.constant 0 : index
    %get3A_16 = vector.load %arg0[%get3A_14, %get3A_15] : memref<8192x128xf32, #tpu.memory_space<vmem>>, vector<1024x128xf32>
    %get3A_17 = arith.constant 6144 : index
    %get3A_18 = arith.constant 0 : index
    %get3A_19 = vector.load %arg0[%get3A_17, %get3A_18] : memref<8192x128xf32, #tpu.memory_space<vmem>>, vector<1024x128xf32>
    %get3A_20 = arith.constant 7168 : index
    %get3A_21 = arith.constant 0 : index
    %get3A_22 = vector.load %arg0[%get3A_20, %get3A_21] : memref<8192x128xf32, #tpu.memory_space<vmem>>, vector<1024x128xf32>
    %get3A_23 = arith.constant 0 : index
    %get3A_24 = arith.constant 0 : index
    %get3A_25 = vector.load %arg5[%get3A_23, %get3A_24] : memref<64x1xf32, #tpu.memory_space<vmem>>, vector<64x1xf32>
    %max3A = arith.constant 0.000000e+00 : f32
    %max3A_26 = vector.broadcast %max3A : f32 to vector<64x1xf32>
    %max3A_27 = arith.maximumf %get3A_25, %max3A_26 : vector<64x1xf32>
    %get3A_28 = arith.constant 0 : index
    %get3A_29 = arith.constant 0 : index
    %get3A_30 = vector.load %arg4[%get3A_28, %get3A_29] : memref<64x64xf32, #tpu.memory_space<vmem>>, vector<64x64xf32>
    %dot_general3A = arith.constant dense<0.000000e+00> : vector<64x1xf32>
    %dot_general3A_31 = tpu.matmul %get3A_30, %max3A_27, %dot_general3A {dimension_numbers = #tpu.dot_dimension_numbers<[1], [0], [0], [1], [0, 0, 1, 1], [], []>, transpose_lhs_hint = false} : vector<64x64xf32>, vector<64x1xf32>, vector<64x1xf32> -> vector<64x1xf32>
    %broadcast_in_dim3A = arith.constant 1.000000e+00 : f32
    %broadcast_in_dim3A_32 = vector.broadcast %broadcast_in_dim3A : f32 to vector<128x1xf32>
    %dot_general3A_33 = arith.constant dense<0.000000e+00> : vector<1024x1xf32>
    %dot_general3A_34 = tpu.matmul %get3A_1, %broadcast_in_dim3A_32, %dot_general3A_33 {dimension_numbers = #tpu.dot_dimension_numbers<[1], [0], [0], [1], [0, 0, 1, 1], [], []>, transpose_lhs_hint = false} : vector<1024x128xf32>, vector<128x1xf32>, vector<1024x1xf32> -> vector<1024x1xf32>
    %add3A = arith.constant 0.000000e+00 : f32
    %add3A_35 = vector.broadcast %add3A : f32 to vector<1024x1xf32>
    %add3A_36 = arith.addf %add3A_35, %dot_general3A_34 : vector<1024x1xf32>
    %dot_general3A_37 = arith.constant dense<0.000000e+00> : vector<1024x1xf32>
    %dot_general3A_38 = tpu.matmul %get3A_4, %broadcast_in_dim3A_32, %dot_general3A_37 {dimension_numbers = #tpu.dot_dimension_numbers<[1], [0], [0], [1], [0, 0, 1, 1], [], []>, transpose_lhs_hint = false} : vector<1024x128xf32>, vector<128x1xf32>, vector<1024x1xf32> -> vector<1024x1xf32>
    %add3A_39 = arith.addf %add3A_36, %dot_general3A_38 : vector<1024x1xf32>
    %dot_general3A_40 = arith.constant dense<0.000000e+00> : vector<1024x1xf32>
    %dot_general3A_41 = tpu.matmul %get3A_7, %broadcast_in_dim3A_32, %dot_general3A_40 {dimension_numbers = #tpu.dot_dimension_numbers<[1], [0], [0], [1], [0, 0, 1, 1], [], []>, transpose_lhs_hint = false} : vector<1024x128xf32>, vector<128x1xf32>, vector<1024x1xf32> -> vector<1024x1xf32>
    %add3A_42 = arith.addf %add3A_39, %dot_general3A_41 : vector<1024x1xf32>
    %dot_general3A_43 = arith.constant dense<0.000000e+00> : vector<1024x1xf32>
    %dot_general3A_44 = tpu.matmul %get3A_10, %broadcast_in_dim3A_32, %dot_general3A_43 {dimension_numbers = #tpu.dot_dimension_numbers<[1], [0], [0], [1], [0, 0, 1, 1], [], []>, transpose_lhs_hint = false} : vector<1024x128xf32>, vector<128x1xf32>, vector<1024x1xf32> -> vector<1024x1xf32>
    %add3A_45 = arith.addf %add3A_42, %dot_general3A_44 : vector<1024x1xf32>
    %dot_general3A_46 = arith.constant dense<0.000000e+00> : vector<1024x1xf32>
    %dot_general3A_47 = tpu.matmul %get3A_13, %broadcast_in_dim3A_32, %dot_general3A_46 {dimension_numbers = #tpu.dot_dimension_numbers<[1], [0], [0], [1], [0, 0, 1, 1], [], []>, transpose_lhs_hint = false} : vector<1024x128xf32>, vector<128x1xf32>, vector<1024x1xf32> -> vector<1024x1xf32>
    %add3A_48 = arith.addf %add3A_45, %dot_general3A_47 : vector<1024x1xf32>
    %dot_general3A_49 = arith.constant dense<0.000000e+00> : vector<1024x1xf32>
    %dot_general3A_50 = tpu.matmul %get3A_16, %broadcast_in_dim3A_32, %dot_general3A_49 {dimension_numbers = #tpu.dot_dimension_numbers<[1], [0], [0], [1], [0, 0, 1, 1], [], []>, transpose_lhs_hint = false} : vector<1024x128xf32>, vector<128x1xf32>, vector<1024x1xf32> -> vector<1024x1xf32>
    %add3A_51 = arith.addf %add3A_48, %dot_general3A_50 : vector<1024x1xf32>
    %dot_general3A_52 = arith.constant dense<0.000000e+00> : vector<1024x1xf32>
    %dot_general3A_53 = tpu.matmul %get3A_19, %broadcast_in_dim3A_32, %dot_general3A_52 {dimension_numbers = #tpu.dot_dimension_numbers<[1], [0], [0], [1], [0, 0, 1, 1], [], []>, transpose_lhs_hint = false} : vector<1024x128xf32>, vector<128x1xf32>, vector<1024x1xf32> -> vector<1024x1xf32>
    %add3A_54 = arith.addf %add3A_51, %dot_general3A_53 : vector<1024x1xf32>
    %dot_general3A_55 = arith.constant dense<0.000000e+00> : vector<1024x1xf32>
    %dot_general3A_56 = tpu.matmul %get3A_22, %broadcast_in_dim3A_32, %dot_general3A_55 {dimension_numbers = #tpu.dot_dimension_numbers<[1], [0], [0], [1], [0, 0, 1, 1], [], []>, transpose_lhs_hint = false} : vector<1024x128xf32>, vector<128x1xf32>, vector<1024x1xf32> -> vector<1024x1xf32>
    %add3A_57 = arith.addf %add3A_54, %dot_general3A_56 : vector<1024x1xf32>
    %get3A_58 = arith.constant 0 : index
    %get3A_59 = arith.constant 0 : index
    %get3A_60 = vector.load %arg1[%get3A_58, %get3A_59] : memref<1024x64xf32, #tpu.memory_space<vmem>>, vector<1024x64xf32>
    %get3A_61 = arith.constant 0 : index
    %get3A_62 = arith.constant 0 : index
    %get3A_63 = vector.load %arg2[%get3A_61, %get3A_62] : memref<64x64xf32, #tpu.memory_space<vmem>>, vector<64x64xf32>
    %dot_general3A_64 = arith.constant dense<0.000000e+00> : vector<1024x64xf32>
    %dot_general3A_65 = tpu.matmul %get3A_60, %get3A_63, %dot_general3A_64 {dimension_numbers = #tpu.dot_dimension_numbers<[1], [1], [0], [0], [0, 0, 1, 0], [], []>, transpose_lhs_hint = false} : vector<1024x64xf32>, vector<64x64xf32>, vector<1024x64xf32> -> vector<1024x64xf32>
    %dot_general3A_66 = arith.constant dense<0.000000e+00> : vector<1024x64xf32>
    %dot_general3A_67 = tpu.matmul %add3A_57, %dot_general3A_31, %dot_general3A_66 {dimension_numbers = #tpu.dot_dimension_numbers<[1], [1], [0], [0], [0, 0, 1, 0], [], []>, transpose_lhs_hint = false} : vector<1024x1xf32>, vector<64x1xf32>, vector<1024x64xf32> -> vector<1024x64xf32>
    %add3A_68 = arith.addf %dot_general3A_65, %dot_general3A_67 : vector<1024x64xf32>
    %max3A_69 = arith.constant 0.000000e+00 : f32
    %max3A_70 = vector.broadcast %max3A_69 : f32 to vector<1024x64xf32>
    %max3A_71 = arith.maximumf %add3A_68, %max3A_70 : vector<1024x64xf32>
    %slice3A = vector.extract_strided_slice %max3A_71 {offsets = [0, 0], sizes = [128, 64], strides = [1, 1]} : vector<1024x64xf32> to vector<128x64xf32>
    %dot_general3A_72 = arith.constant dense<0.000000e+00> : vector<1024x64xf32>
    %dot_general3A_73 = tpu.matmul %get3A_1, %slice3A, %dot_general3A_72 {dimension_numbers = #tpu.dot_dimension_numbers<[1], [0], [0], [1], [0, 0, 1, 1], [], []>, transpose_lhs_hint = false} : vector<1024x128xf32>, vector<128x64xf32>, vector<1024x64xf32> -> vector<1024x64xf32>
    %add3A_74 = arith.constant 0.000000e+00 : f32
    %add3A_75 = vector.broadcast %add3A_74 : f32 to vector<1024x64xf32>
    %add3A_76 = arith.addf %add3A_75, %dot_general3A_73 : vector<1024x64xf32>
    %slice3A_77 = vector.extract_strided_slice %max3A_71 {offsets = [128, 0], sizes = [128, 64], strides = [1, 1]} : vector<1024x64xf32> to vector<128x64xf32>
    %dot_general3A_78 = arith.constant dense<0.000000e+00> : vector<1024x64xf32>
    %dot_general3A_79 = tpu.matmul %get3A_4, %slice3A_77, %dot_general3A_78 {dimension_numbers = #tpu.dot_dimension_numbers<[1], [0], [0], [1], [0, 0, 1, 1], [], []>, transpose_lhs_hint = false} : vector<1024x128xf32>, vector<128x64xf32>, vector<1024x64xf32> -> vector<1024x64xf32>
    %add3A_80 = arith.addf %add3A_76, %dot_general3A_79 : vector<1024x64xf32>
    %slice3A_81 = vector.extract_strided_slice %max3A_71 {offsets = [256, 0], sizes = [128, 64], strides = [1, 1]} : vector<1024x64xf32> to vector<128x64xf32>
    %dot_general3A_82 = arith.constant dense<0.000000e+00> : vector<1024x64xf32>
    %dot_general3A_83 = tpu.matmul %get3A_7, %slice3A_81, %dot_general3A_82 {dimension_numbers = #tpu.dot_dimension_numbers<[1], [0], [0], [1], [0, 0, 1, 1], [], []>, transpose_lhs_hint = false} : vector<1024x128xf32>, vector<128x64xf32>, vector<1024x64xf32> -> vector<1024x64xf32>
    %add3A_84 = arith.addf %add3A_80, %dot_general3A_83 : vector<1024x64xf32>
    %slice3A_85 = vector.extract_strided_slice %max3A_71 {offsets = [384, 0], sizes = [128, 64], strides = [1, 1]} : vector<1024x64xf32> to vector<128x64xf32>
    %dot_general3A_86 = arith.constant dense<0.000000e+00> : vector<1024x64xf32>
    %dot_general3A_87 = tpu.matmul %get3A_10, %slice3A_85, %dot_general3A_86 {dimension_numbers = #tpu.dot_dimension_numbers<[1], [0], [0], [1], [0, 0, 1, 1], [], []>, transpose_lhs_hint = false} : vector<1024x128xf32>, vector<128x64xf32>, vector<1024x64xf32> -> vector<1024x64xf32>
    %add3A_88 = arith.addf %add3A_84, %dot_general3A_87 : vector<1024x64xf32>
    %slice3A_89 = vector.extract_strided_slice %max3A_71 {offsets = [512, 0], sizes = [128, 64], strides = [1, 1]} : vector<1024x64xf32> to vector<128x64xf32>
    %dot_general3A_90 = arith.constant dense<0.000000e+00> : vector<1024x64xf32>
    %dot_general3A_91 = tpu.matmul %get3A_13, %slice3A_89, %dot_general3A_90 {dimension_numbers = #tpu.dot_dimension_numbers<[1], [0], [0], [1], [0, 0, 1, 1], [], []>, transpose_lhs_hint = false} : vector<1024x128xf32>, vector<128x64xf32>, vector<1024x64xf32> -> vector<1024x64xf32>
    %add3A_92 = arith.addf %add3A_88, %dot_general3A_91 : vector<1024x64xf32>
    %slice3A_93 = vector.extract_strided_slice %max3A_71 {offsets = [640, 0], sizes = [128, 64], strides = [1, 1]} : vector<1024x64xf32> to vector<128x64xf32>
    %dot_general3A_94 = arith.constant dense<0.000000e+00> : vector<1024x64xf32>
    %dot_general3A_95 = tpu.matmul %get3A_16, %slice3A_93, %dot_general3A_94 {dimension_numbers = #tpu.dot_dimension_numbers<[1], [0], [0], [1], [0, 0, 1, 1], [], []>, transpose_lhs_hint = false} : vector<1024x128xf32>, vector<128x64xf32>, vector<1024x64xf32> -> vector<1024x64xf32>
    %add3A_96 = arith.addf %add3A_92, %dot_general3A_95 : vector<1024x64xf32>
    %slice3A_97 = vector.extract_strided_slice %max3A_71 {offsets = [768, 0], sizes = [128, 64], strides = [1, 1]} : vector<1024x64xf32> to vector<128x64xf32>
    %dot_general3A_98 = arith.constant dense<0.000000e+00> : vector<1024x64xf32>
    %dot_general3A_99 = tpu.matmul %get3A_19, %slice3A_97, %dot_general3A_98 {dimension_numbers = #tpu.dot_dimension_numbers<[1], [0], [0], [1], [0, 0, 1, 1], [], []>, transpose_lhs_hint = false} : vector<1024x128xf32>, vector<128x64xf32>, vector<1024x64xf32> -> vector<1024x64xf32>
    %add3A_100 = arith.addf %add3A_96, %dot_general3A_99 : vector<1024x64xf32>
    %slice3A_101 = vector.extract_strided_slice %max3A_71 {offsets = [896, 0], sizes = [128, 64], strides = [1, 1]} : vector<1024x64xf32> to vector<128x64xf32>
    %dot_general3A_102 = arith.constant dense<0.000000e+00> : vector<1024x64xf32>
    %dot_general3A_103 = tpu.matmul %get3A_22, %slice3A_101, %dot_general3A_102 {dimension_numbers = #tpu.dot_dimension_numbers<[1], [0], [0], [1], [0, 0, 1, 1], [], []>, transpose_lhs_hint = false} : vector<1024x128xf32>, vector<128x64xf32>, vector<1024x64xf32> -> vector<1024x64xf32>
    %add3A_104 = arith.addf %add3A_100, %dot_general3A_103 : vector<1024x64xf32>
    %get3A_105 = arith.constant 0 : index
    %get3A_106 = arith.constant 0 : index
    %get3A_107 = vector.load %arg3[%get3A_105, %get3A_106] : memref<64x64xf32, #tpu.memory_space<vmem>>, vector<64x64xf32>
    %dot_general3A_108 = arith.constant dense<0.000000e+00> : vector<1024x64xf32>
    %dot_general3A_109 = tpu.matmul %add3A_104, %get3A_107, %dot_general3A_108 {dimension_numbers = #tpu.dot_dimension_numbers<[1], [1], [0], [0], [0, 0, 1, 0], [], []>, transpose_lhs_hint = false} : vector<1024x64xf32>, vector<64x64xf32>, vector<1024x64xf32> -> vector<1024x64xf32>
    %add3A_110 = arith.addf %add3A_68, %dot_general3A_109 : vector<1024x64xf32>
    %max3A_111 = arith.constant 0.000000e+00 : f32
    %max3A_112 = vector.broadcast %max3A_111 : f32 to vector<1024x64xf32>
    %max3A_113 = arith.maximumf %add3A_110, %max3A_112 : vector<1024x64xf32>
    %slice3A_114 = vector.extract_strided_slice %max3A_113 {offsets = [0, 0], sizes = [128, 64], strides = [1, 1]} : vector<1024x64xf32> to vector<128x64xf32>
    %dot_general3A_115 = arith.constant dense<0.000000e+00> : vector<1024x64xf32>
    %dot_general3A_116 = tpu.matmul %get3A_1, %slice3A_114, %dot_general3A_115 {dimension_numbers = #tpu.dot_dimension_numbers<[1], [0], [0], [1], [0, 0, 1, 1], [], []>, transpose_lhs_hint = false} : vector<1024x128xf32>, vector<128x64xf32>, vector<1024x64xf32> -> vector<1024x64xf32>
    %add3A_117 = arith.constant 0.000000e+00 : f32
    %add3A_118 = vector.broadcast %add3A_117 : f32 to vector<1024x64xf32>
    %add3A_119 = arith.addf %add3A_118, %dot_general3A_116 : vector<1024x64xf32>
    %slice3A_120 = vector.extract_strided_slice %max3A_113 {offsets = [128, 0], sizes = [128, 64], strides = [1, 1]} : vector<1024x64xf32> to vector<128x64xf32>
    %dot_general3A_121 = arith.constant dense<0.000000e+00> : vector<1024x64xf32>
    %dot_general3A_122 = tpu.matmul %get3A_4, %slice3A_120, %dot_general3A_121 {dimension_numbers = #tpu.dot_dimension_numbers<[1], [0], [0], [1], [0, 0, 1, 1], [], []>, transpose_lhs_hint = false} : vector<1024x128xf32>, vector<128x64xf32>, vector<1024x64xf32> -> vector<1024x64xf32>
    %add3A_123 = arith.addf %add3A_119, %dot_general3A_122 : vector<1024x64xf32>
    %slice3A_124 = vector.extract_strided_slice %max3A_113 {offsets = [256, 0], sizes = [128, 64], strides = [1, 1]} : vector<1024x64xf32> to vector<128x64xf32>
    %dot_general3A_125 = arith.constant dense<0.000000e+00> : vector<1024x64xf32>
    %dot_general3A_126 = tpu.matmul %get3A_7, %slice3A_124, %dot_general3A_125 {dimension_numbers = #tpu.dot_dimension_numbers<[1], [0], [0], [1], [0, 0, 1, 1], [], []>, transpose_lhs_hint = false} : vector<1024x128xf32>, vector<128x64xf32>, vector<1024x64xf32> -> vector<1024x64xf32>
    %add3A_127 = arith.addf %add3A_123, %dot_general3A_126 : vector<1024x64xf32>
    %slice3A_128 = vector.extract_strided_slice %max3A_113 {offsets = [384, 0], sizes = [128, 64], strides = [1, 1]} : vector<1024x64xf32> to vector<128x64xf32>
    %dot_general3A_129 = arith.constant dense<0.000000e+00> : vector<1024x64xf32>
    %dot_general3A_130 = tpu.matmul %get3A_10, %slice3A_128, %dot_general3A_129 {dimension_numbers = #tpu.dot_dimension_numbers<[1], [0], [0], [1], [0, 0, 1, 1], [], []>, transpose_lhs_hint = false} : vector<1024x128xf32>, vector<128x64xf32>, vector<1024x64xf32> -> vector<1024x64xf32>
    %add3A_131 = arith.addf %add3A_127, %dot_general3A_130 : vector<1024x64xf32>
    %slice3A_132 = vector.extract_strided_slice %max3A_113 {offsets = [512, 0], sizes = [128, 64], strides = [1, 1]} : vector<1024x64xf32> to vector<128x64xf32>
    %dot_general3A_133 = arith.constant dense<0.000000e+00> : vector<1024x64xf32>
    %dot_general3A_134 = tpu.matmul %get3A_13, %slice3A_132, %dot_general3A_133 {dimension_numbers = #tpu.dot_dimension_numbers<[1], [0], [0], [1], [0, 0, 1, 1], [], []>, transpose_lhs_hint = false} : vector<1024x128xf32>, vector<128x64xf32>, vector<1024x64xf32> -> vector<1024x64xf32>
    %add3A_135 = arith.addf %add3A_131, %dot_general3A_134 : vector<1024x64xf32>
    %slice3A_136 = vector.extract_strided_slice %max3A_113 {offsets = [640, 0], sizes = [128, 64], strides = [1, 1]} : vector<1024x64xf32> to vector<128x64xf32>
    %dot_general3A_137 = arith.constant dense<0.000000e+00> : vector<1024x64xf32>
    %dot_general3A_138 = tpu.matmul %get3A_16, %slice3A_136, %dot_general3A_137 {dimension_numbers = #tpu.dot_dimension_numbers<[1], [0], [0], [1], [0, 0, 1, 1], [], []>, transpose_lhs_hint = false} : vector<1024x128xf32>, vector<128x64xf32>, vector<1024x64xf32> -> vector<1024x64xf32>
    %add3A_139 = arith.addf %add3A_135, %dot_general3A_138 : vector<1024x64xf32>
    %slice3A_140 = vector.extract_strided_slice %max3A_113 {offsets = [768, 0], sizes = [128, 64], strides = [1, 1]} : vector<1024x64xf32> to vector<128x64xf32>
    %dot_general3A_141 = arith.constant dense<0.000000e+00> : vector<1024x64xf32>
    %dot_general3A_142 = tpu.matmul %get3A_19, %slice3A_140, %dot_general3A_141 {dimension_numbers = #tpu.dot_dimension_numbers<[1], [0], [0], [1], [0, 0, 1, 1], [], []>, transpose_lhs_hint = false} : vector<1024x128xf32>, vector<128x64xf32>, vector<1024x64xf32> -> vector<1024x64xf32>
    %add3A_143 = arith.addf %add3A_139, %dot_general3A_142 : vector<1024x64xf32>
    %slice3A_144 = vector.extract_strided_slice %max3A_113 {offsets = [896, 0], sizes = [128, 64], strides = [1, 1]} : vector<1024x64xf32> to vector<128x64xf32>
    %dot_general3A_145 = arith.constant dense<0.000000e+00> : vector<1024x64xf32>
    %dot_general3A_146 = tpu.matmul %get3A_22, %slice3A_144, %dot_general3A_145 {dimension_numbers = #tpu.dot_dimension_numbers<[1], [0], [0], [1], [0, 0, 1, 1], [], []>, transpose_lhs_hint = false} : vector<1024x128xf32>, vector<128x64xf32>, vector<1024x64xf32> -> vector<1024x64xf32>
    %add3A_147 = arith.addf %add3A_143, %dot_general3A_146 : vector<1024x64xf32>
    %get3A_148 = arith.constant 0 : index
    %get3A_149 = arith.constant 0 : index
    %get3A_150 = vector.load %arg3[%get3A_148, %get3A_149] : memref<64x64xf32, #tpu.memory_space<vmem>>, vector<64x64xf32>
    %dot_general3A_151 = arith.constant dense<0.000000e+00> : vector<1024x64xf32>
    %dot_general3A_152 = tpu.matmul %add3A_147, %get3A_150, %dot_general3A_151 {dimension_numbers = #tpu.dot_dimension_numbers<[1], [1], [0], [0], [0, 0, 1, 0], [], []>, transpose_lhs_hint = false} : vector<1024x64xf32>, vector<64x64xf32>, vector<1024x64xf32> -> vector<1024x64xf32>
    %add3A_153 = arith.addf %add3A_68, %dot_general3A_152 : vector<1024x64xf32>
    %max3A_154 = arith.constant 0.000000e+00 : f32
    %max3A_155 = vector.broadcast %max3A_154 : f32 to vector<1024x64xf32>
    %max3A_156 = arith.maximumf %add3A_153, %max3A_155 : vector<1024x64xf32>
    %slice3A_157 = vector.extract_strided_slice %max3A_156 {offsets = [0, 0], sizes = [128, 64], strides = [1, 1]} : vector<1024x64xf32> to vector<128x64xf32>
    %dot_general3A_158 = arith.constant dense<0.000000e+00> : vector<1024x64xf32>
    %dot_general3A_159 = tpu.matmul %get3A_1, %slice3A_157, %dot_general3A_158 {dimension_numbers = #tpu.dot_dimension_numbers<[1], [0], [0], [1], [0, 0, 1, 1], [], []>, transpose_lhs_hint = false} : vector<1024x128xf32>, vector<128x64xf32>, vector<1024x64xf32> -> vector<1024x64xf32>
    %add3A_160 = arith.constant 0.000000e+00 : f32
    %add3A_161 = vector.broadcast %add3A_160 : f32 to vector<1024x64xf32>
    %add3A_162 = arith.addf %add3A_161, %dot_general3A_159 : vector<1024x64xf32>
    %slice3A_163 = vector.extract_strided_slice %max3A_156 {offsets = [128, 0], sizes = [128, 64], strides = [1, 1]} : vector<1024x64xf32> to vector<128x64xf32>
    %dot_general3A_164 = arith.constant dense<0.000000e+00> : vector<1024x64xf32>
    %dot_general3A_165 = tpu.matmul %get3A_4, %slice3A_163, %dot_general3A_164 {dimension_numbers = #tpu.dot_dimension_numbers<[1], [0], [0], [1], [0, 0, 1, 1], [], []>, transpose_lhs_hint = false} : vector<1024x128xf32>, vector<128x64xf32>, vector<1024x64xf32> -> vector<1024x64xf32>
    %add3A_166 = arith.addf %add3A_162, %dot_general3A_165 : vector<1024x64xf32>
    %slice3A_167 = vector.extract_strided_slice %max3A_156 {offsets = [256, 0], sizes = [128, 64], strides = [1, 1]} : vector<1024x64xf32> to vector<128x64xf32>
    %dot_general3A_168 = arith.constant dense<0.000000e+00> : vector<1024x64xf32>
    %dot_general3A_169 = tpu.matmul %get3A_7, %slice3A_167, %dot_general3A_168 {dimension_numbers = #tpu.dot_dimension_numbers<[1], [0], [0], [1], [0, 0, 1, 1], [], []>, transpose_lhs_hint = false} : vector<1024x128xf32>, vector<128x64xf32>, vector<1024x64xf32> -> vector<1024x64xf32>
    %add3A_170 = arith.addf %add3A_166, %dot_general3A_169 : vector<1024x64xf32>
    %slice3A_171 = vector.extract_strided_slice %max3A_156 {offsets = [384, 0], sizes = [128, 64], strides = [1, 1]} : vector<1024x64xf32> to vector<128x64xf32>
    %dot_general3A_172 = arith.constant dense<0.000000e+00> : vector<1024x64xf32>
    %dot_general3A_173 = tpu.matmul %get3A_10, %slice3A_171, %dot_general3A_172 {dimension_numbers = #tpu.dot_dimension_numbers<[1], [0], [0], [1], [0, 0, 1, 1], [], []>, transpose_lhs_hint = false} : vector<1024x128xf32>, vector<128x64xf32>, vector<1024x64xf32> -> vector<1024x64xf32>
    %add3A_174 = arith.addf %add3A_170, %dot_general3A_173 : vector<1024x64xf32>
    %slice3A_175 = vector.extract_strided_slice %max3A_156 {offsets = [512, 0], sizes = [128, 64], strides = [1, 1]} : vector<1024x64xf32> to vector<128x64xf32>
    %dot_general3A_176 = arith.constant dense<0.000000e+00> : vector<1024x64xf32>
    %dot_general3A_177 = tpu.matmul %get3A_13, %slice3A_175, %dot_general3A_176 {dimension_numbers = #tpu.dot_dimension_numbers<[1], [0], [0], [1], [0, 0, 1, 1], [], []>, transpose_lhs_hint = false} : vector<1024x128xf32>, vector<128x64xf32>, vector<1024x64xf32> -> vector<1024x64xf32>
    %add3A_178 = arith.addf %add3A_174, %dot_general3A_177 : vector<1024x64xf32>
    %slice3A_179 = vector.extract_strided_slice %max3A_156 {offsets = [640, 0], sizes = [128, 64], strides = [1, 1]} : vector<1024x64xf32> to vector<128x64xf32>
    %dot_general3A_180 = arith.constant dense<0.000000e+00> : vector<1024x64xf32>
    %dot_general3A_181 = tpu.matmul %get3A_16, %slice3A_179, %dot_general3A_180 {dimension_numbers = #tpu.dot_dimension_numbers<[1], [0], [0], [1], [0, 0, 1, 1], [], []>, transpose_lhs_hint = false} : vector<1024x128xf32>, vector<128x64xf32>, vector<1024x64xf32> -> vector<1024x64xf32>
    %add3A_182 = arith.addf %add3A_178, %dot_general3A_181 : vector<1024x64xf32>
    %slice3A_183 = vector.extract_strided_slice %max3A_156 {offsets = [768, 0], sizes = [128, 64], strides = [1, 1]} : vector<1024x64xf32> to vector<128x64xf32>
    %dot_general3A_184 = arith.constant dense<0.000000e+00> : vector<1024x64xf32>
    %dot_general3A_185 = tpu.matmul %get3A_19, %slice3A_183, %dot_general3A_184 {dimension_numbers = #tpu.dot_dimension_numbers<[1], [0], [0], [1], [0, 0, 1, 1], [], []>, transpose_lhs_hint = false} : vector<1024x128xf32>, vector<128x64xf32>, vector<1024x64xf32> -> vector<1024x64xf32>
    %add3A_186 = arith.addf %add3A_182, %dot_general3A_185 : vector<1024x64xf32>
    %slice3A_187 = vector.extract_strided_slice %max3A_156 {offsets = [896, 0], sizes = [128, 64], strides = [1, 1]} : vector<1024x64xf32> to vector<128x64xf32>
    %dot_general3A_188 = arith.constant dense<0.000000e+00> : vector<1024x64xf32>
    %dot_general3A_189 = tpu.matmul %get3A_22, %slice3A_187, %dot_general3A_188 {dimension_numbers = #tpu.dot_dimension_numbers<[1], [0], [0], [1], [0, 0, 1, 1], [], []>, transpose_lhs_hint = false} : vector<1024x128xf32>, vector<128x64xf32>, vector<1024x64xf32> -> vector<1024x64xf32>
    %add3A_190 = arith.addf %add3A_186, %dot_general3A_189 : vector<1024x64xf32>
    %get3A_191 = arith.constant 0 : index
    %get3A_192 = arith.constant 0 : index
    %get3A_193 = vector.load %arg3[%get3A_191, %get3A_192] : memref<64x64xf32, #tpu.memory_space<vmem>>, vector<64x64xf32>
    %dot_general3A_194 = arith.constant dense<0.000000e+00> : vector<1024x64xf32>
    %dot_general3A_195 = tpu.matmul %add3A_190, %get3A_193, %dot_general3A_194 {dimension_numbers = #tpu.dot_dimension_numbers<[1], [1], [0], [0], [0, 0, 1, 0], [], []>, transpose_lhs_hint = false} : vector<1024x64xf32>, vector<64x64xf32>, vector<1024x64xf32> -> vector<1024x64xf32>
    %add3A_196 = arith.addf %add3A_68, %dot_general3A_195 : vector<1024x64xf32>
    %max3A_197 = arith.constant 0.000000e+00 : f32
    %max3A_198 = vector.broadcast %max3A_197 : f32 to vector<1024x64xf32>
    %max3A_199 = arith.maximumf %add3A_196, %max3A_198 : vector<1024x64xf32>
    %swap3A = arith.constant 0 : index
    %swap3A_200 = arith.constant 0 : index
    %swap3A_201 = vector.load %arg6[%swap3A, %swap3A_200] : memref<1024x64xf32, #tpu.memory_space<vmem>>, vector<1024x64xf32>
    tpu.vector_store %arg6[%swap3A, %swap3A_200], %max3A_199 {strides = array<i32>} : memref<1024x64xf32, #tpu.memory_space<vmem>>, vector<1024x64xf32>,
    return
  }
}

</mosaic_0001>

<sc_bundles>
// kernel: kernel.4.cloned.1.call-start
scs
__scs_entry_jumppad:
0x0: {  	(pc) =	sbr.rel $0x88, $3  }
0x1: {  	(tag) =	ssettag $0x0;
	lr =	simm.s32 $0x1  }
0x2: {  	[smem:$0x3F9B] =	sst lr;
	_ =	strace $0xD0000000  }
0x3: {  	_ = 	snop  }
0x4: {  	_ = 	snop  }
0x5: {  	_ = 	snop  }
0x6: {  	_ = 	snop  }
0x7: {  	_ = 	snop  }
__scs_overlays_trampoline_lowered:
0x8: {  	[smem:$0x3FAA] =	sst s0  }
0x9: {  	[smem:$0x3FAB] =	sst s1  }
0xa: {  	[smem:$0x3FAC] =	sst s2  }
0xb: {  	[smem:$0x3FAD] =	sst s3  }
0xc: {  	[smem:$0x3FAE] =	sst s4  }
0xd: {  	[smem:$0x3FAF] =	sst s5  }
0xe: {  	[smem:$0x3FB0] =	sst s6  }
0xf: {  	[smem:$0x3FB1] =	sst s7  }
0x10: {  	[smem:$0x3FB2] =	sst s8  }
0x11: {  	[smem:$0x3FB3] =	sst s9;
	s0 =	simm.s32 @!p0 $0x0  }
0x12: {  	s1 =	sld [smem:$0x3F99];
	s0 =	simm.s32 @p0 $0x1  }
0x13: {  	[smem:$0x3FB4] =	sst s0;
	s0 =	simm.s32 @!p1 $0x0  }
0x14: {  	s2 =	sld [smem:$0x3F98];
	s0 =	simm.s32 @p1 $0x1  }
0x15: {  	[smem:$0x3FB5] =	sst s0;
	s0 =	simm.s32 @!p2 $0x0  }
0x16: {  	s3 =	sld [smem:$0x3FDB];
	s0 =	simm.s32 @p2 $0x1  }
0x17: {  	s4 =	simm.s32 $0x1BF5;
	[smem:$0x3FB7] =	sst s0  }
0x18: {  	s0 =	sld [smem:$0x3F9A];
	_ =	swait.ge [sflag:s4], $0x0  }
0x19: {  	s7 =	sld [smem:$0x3F9B]  }
0x1a: {  	s8 =	sadd.s32 $0xFFFFE003, lr  }
0x1b: {  	s9 =	sadd.s32 $0xFFFFFEF7, lr;
	s5 =	simm.s32 $0xFFFFFFFF;
	p2 =	slt.u32 s8, $0xFFFFF086  }
0x1c: {  	p1 =	slt.u32 s9, $0xF7A;
	s5 =	simm.s32 @!p2 $0x0  }
0x1d: {  	s5 =	simm.s32 @p1 $0x1;
	p0 =	seq.s32 s7, s2  }
0x1e: {  	s7 =	smul.u32 @!p0 $0xF7A, s2;
	p2 =	seq.s32 @!p0 s5, $0x0  }
0x1f: {  	s9 =	smul.u32 $0xF7A, s1;
	s8 =	simm.s32 @!p0 $0x1BF5;
	p2 =	por !p2, p0  }
0x20: {  	[sflag:s8] =	ssyncset.s32 @!p0 $0xFFFFF086;
	s6 =	sadd.s32 @!p0 s3, s7;
	s7 =	simm.s32 @!p0 $0x108  }
0x21: {  	s3 =	sadd.s32 s3, s9;
	s6 =	sadd.s32 @!p0 $0x88, s6;
	s7 =	simm.s32 @p2 $0x1082  }
0x22: {  	[simem:s7], [sflag:s8] =	dma.local @!p0 [hbm:s6], $0xF7A  }
0x23: {  	s9 =	sor.u32 $0xD0000000, s2;
	s6 =	simm.s32 $0x108;
	_ =	swait.ge @!p0 [sflag:s8], $0x0  }
0x24: {  	s3 =	sadd.s32 $0x88, s3;
	s6 =	simm.s32 @!p1 $0x1082;
	[sflag:s4] =	ssyncset.s32 $0xFFFFF086  }
0x25: {  	[simem:s6], [sflag:s4] =	dma.local [hbm:s3], $0xF7A  }
0x26: {  	[smem:$0x3F9B] =	sst s1;
	(tag) =	ssettag s2;
	_ =	strace s9  }
0x27: {  	s1 =	sld [smem:$0x3FAB]  }
0x28: {  	s2 =	sld [smem:$0x3FAC]  }
0x29: {  	s4 =	sld [smem:$0x3FAE]  }
0x2a: {  	p0 =	seq.s32 s5, $0x0;
	s5 =	sld [smem:$0x3FAF]  }
0x2b: {  	s6 =	sld [smem:$0x3FB0]  }
0x2c: {  	s7 =	sld [smem:$0x3FB1]  }
0x2d: {  	s3 =	simm.s32 $0x108;
	s8 =	sld [smem:$0x3FB2]  }
0x2e: {  	s3 =	simm.s32 @!p0 $0x1082;
	s9 =	sld [smem:$0x3FB3]  }
0x2f: {  	lr =	sadd.s32 s0, s3;
	s0 =	sld [smem:$0x3FAA]  }
0x30: {  	s3 =	sld [smem:$0x3FAD]  }
0x31: {  	[smem:$0x3FB6] =	sst s10  }
0x32: {  	s10 =	sld [smem:$0x3FB4];
	_ =	sdelay $0x3  }
0x33: {  	p0 =	seq.s32 s10, $0x1;
	s10 =	sld [smem:$0x3FB6];
	_ =	sdelay $0x3  }
0x34: {  	[smem:$0x3FB6] =	sst s10  }
0x35: {  	s10 =	sld [smem:$0x3FB5];
	_ =	sdelay $0x3  }
0x36: {  	p1 =	seq.s32 s10, $0x1;
	s10 =	sld [smem:$0x3FB6];
	_ =	sdelay $0x3  }
0x37: {  	[smem:$0x3FB6] =	sst s10  }
0x38: {  	s10 =	sld [smem:$0x3FB7]  }
0x39: {  	_ = 	snop;
	(pc) =	sbr.ind lr, $3  }
0x3a: {  	_ = 	snop  }
0x3b: {  	_ = 	snop  }
0x3c: {  	p2 =	seq.s32 s10, $0x1;
	s10 =	sld [smem:$0x3FB6]  }
0x3d: {  	_ =	shalt  }
0x3e: {  	_ =	shalt  }
0x3f: {  	_ =	shalt  }
0x40: {  	_ =	shalt  }
0x41: {  	_ =	shalt  }
0x42: {  	_ =	shalt  }
0x43: {  	_ =	shalt  }
0x44: {  	_ =	shalt  }
0x45: {  	_ =	shalt  }
0x46: {  	_ =	shalt  }
0x47: {  	_ =	shalt  }
0x48: {  	_ =	shalt  }
0x49: {  	_ =	shalt  }
0x4a: {  	_ =	shalt  }
0x4b: {  	_ =	shalt  }
0x4c: {  	_ =	shalt  }
0x4d: {  	_ =	shalt  }
0x4e: {  	_ =	shalt  }
0x4f: {  	_ =	shalt  }
0x50: {  	_ =	shalt  }
0x51: {  	_ =	shalt  }
0x52: {  	_ =	shalt  }
0x53: {  	_ =	shalt  }
0x54: {  	_ =	shalt  }
0x55: {  	_ =	shalt  }
0x56: {  	_ =	shalt  }
0x57: {  	_ =	shalt  }
0x58: {  	_ =	shalt  }
0x59: {  	_ =	shalt  }
0x5a: {  	_ =	shalt  }
0x5b: {  	_ =	shalt  }
0x5c: {  	_ =	shalt  }
0x5d: {  	_ =	shalt  }
0x5e: {  	_ =	shalt  }
0x5f: {  	_ =	shalt  }
0x60: {  	_ =	shalt  }
0x61: {  	_ =	shalt  }
0x62: {  	_ =	shalt  }
0x63: {  	_ =	shalt  }
0x64: {  	_ =	shalt  }
0x65: {  	_ =	shalt  }
0x66: {  	_ =	shalt  }
0x67: {  	_ =	shalt  }
0x68: {  	_ =	shalt  }
0x69: {  	_ =	shalt  }
0x6a: {  	_ =	shalt  }
0x6b: {  	_ =	shalt  }
0x6c: {  	_ =	shalt  }
0x6d: {  	_ =	shalt  }
0x6e: {  	_ =	shalt  }
0x6f: {  	_ =	shalt  }
0x70: {  	_ =	shalt  }
0x71: {  	_ =	shalt  }
0x72: {  	_ =	shalt  }
0x73: {  	_ =	shalt  }
0x74: {  	_ =	shalt  }
0x75: {  	_ =	shalt  }
0x76: {  	_ =	shalt  }
0x77: {  	_ =	shalt  }
0x78: {  	_ =	shalt  }
0x79: {  	_ =	shalt  }
0x7a: {  	_ =	shalt  }
0x7b: {  	_ =	shalt  }
0x7c: {  	_ =	shalt  }
0x7d: {  	_ =	shalt  }
0x7e: {  	_ =	shalt  }
0x7f: {  	_ =	shalt  }
0x80: {  	_ =	shalt  }
0x81: {  	_ =	shalt  }
0x82: {  	_ =	shalt  }
0x83: {  	_ =	shalt  }
0x84: {  	_ =	shalt  }
0x85: {  	_ =	shalt  }
0x86: {  	_ =	shalt  }
0x87: {  	_ =	shalt  }
.Lfunc_end0:
.L_simem_size_0:
called_computation_lowered:
.L_overlay_start_0:
0x88: {  	s2 =	sld [smem:$0x3FD9]  }
0x89: {  	s3 =	sld [smem:$0x3FFE];
	_ =	sdelay $0x1  }
0x8a: {  	s1 =	srdreg.scid  }
0x8b: {  	s0 =	sand.u32 $0x1, s1  }
0x8c: {  	s17 =	sshll.u32 s0, $0xA;
	s2 =	sadd.s32 s3, s2  }
0x8d: {  	s2 =	sadd.s32 s2, s17  }
0x8e: {  	[smem:$0x3FC2] =	sst s2  }
0x8f: {  	_ = 	snop  }
0x90: {  	s2 =	sld [smem:$0x3FC8];
	(tm) =	ssettm $0x1  }
0x91: {  	s18 =	sld [smem:$0x3FFB];
	_ =	sdelay $0x3  }
0x92: {  	_ =	strace s18  }
0x93: {  	s3 =	sld [smem:$0x3FFC];
	_ =	sdelay $0x3  }
0x94: {  	_ =	strace s3  }
0x95: {  	s3 =	sld [smem:$0x3FFD];
	_ =	sdelay $0x3  }
0x96: {  	_ =	strace s3  }
0x97: {  	_ =	strace $0x8FFFFFFF  }
0x98: {  	s19 =	sld [smem:$0x3FDB];
	_ =	sdelay $0x1  }
0x99: {  	s4 =	simm.s32 $_scs_section_size  }
0x9a: {  	s5 =	simm.s32 $_size__tile_overlayer_lowered;
	s6 =	simm.s32 $_tile_overlayer_lowered  }
0x9b: {  	s22 =	simm.s32 $0x1BFF;
	s21 =	sshll.u32 s6, $0x1;
	s3 =	sadd.s32 s4, s19  }
0x9c: {  	s7 =	simm.s32 $0x0;
	s20 =	sshll.u32 s5, $0x1;
	s5 =	sadd.s32 s21, s3  }
0x9d: {  	[timem:s7], [sflag:s22] =	dma.local [hbm:s5], s20  }
0x9e: {  	_ =	swait.ge [sflag:s22], s20  }
0x9f: {  	s4 =	ssub.s32 $0x0, s20;
	[sflag:s22] =	ssyncset.done $0x0  }
0xa0: {  	[sflag:s22] =	ssyncadd.s32 s4;
	_ =	sdelay $0x1  }
0xa1: {  	s23 =	simm.s32 $0x1B8B  }
0xa2: {  	_ =	swait.ge [sflag:s23], $0x1  }
0xa3: {  	[sflag:s23] =	ssyncset.done $0x0  }
0xa4: {  	s25 =	simm.s32 $0x1B8E;
	s24 =	sld [smem:$0x3FFE];
	[sflag:s23] =	ssyncadd.s32 $0xFFFFFFFF  }
0xa5: {  	s26 =	simm.s32 $execute0_lowered;
	[smem:$0x3FD2] =	sst s25  }
0xa6: {  	s5 =	sshll.u32 s26, $0x1;
	_ =	strace $0x80000046;
	[dreg:$0x1] =	wrdreg $0xFFFFFFFF  }
0xa7: {  	s28 =	simm.s32 $_size_execute0_lowered;
	s3 =	sadd.s32 s3, s5;
	[dreg:$0x0] =	wrdreg $0x0  }
0xa8: {  	s5 =	sshll.u32 s28, $0x1;
	[dreg:$0x2] =	wrdreg s3  }
0xa9: {  	[dreg:$0x3] =	wrdreg s5  }
0xaa: {  	[dreg:$0x4] =	wrdreg $0xC0  }
0xab: {  	_ =	task [dreg:s7], $0x5FFFF  }
0xac: {  	[dreg:$0x1] =	wrdreg $0xFFFFFFFF  }
0xad: {  	[dreg:$0x0] =	wrdreg $0x60  }
0xae: {  	[dreg:$0x2] =	wrdreg s2  }
0xaf: {  	[dreg:$0x3] =	wrdreg s24  }
0xb0: {  	[dreg:$0x4] =	wrdreg $0x30000  }
0xb1: {  	[dreg:$0x5] =	wrdreg $0x9  }
0xb2: {  	_ =	task.clear_ibuf [dreg:s7], $0x6FFFF;
	_ =	strace $0x90000046  }
0xb3: {  	s29 =	simm.s32 $0x9;
	_ =	strace $0x80000048  }
0xb4: {  	_ =	swait.ge [sflag:s29], $0x1  }
0xb5: {  	[sflag:s29] =	ssyncadd.s32 $0xFFFFFFFF  }
0xb6: {  	_ =	strace $0x90000048  }
0xb7: {  	_ =	sfence  }
0xb8: {  	s30 =	sld [smem:$0x0];
	_ =	sdelay $0x2  }
0xb9: {  	s31 =	sshll.u32 s1, $0xD;
	s1 =	sshrl.u32 s1, $0x2  }
0xba: {  	s3 =	sand.u32 $0x4000, s31;
	s1 =	sadd.s32 s1, s30  }
0xbb: {  	s0 =	sor.u32 s3, s0;
	s1 =	sshll.u32 s1, $0x11  }
0xbc: {  	s0 =	sor.u32 s1, s0  }
0xbd: {  	s0 =	sadd.s32 $0x8F2B, s0  }
0xbe: {  	[sflag:s0] =	ssyncadd.remote.s32 $0x1  }
0xbf: {  	_ =	sfence.sel $0xFFFF  }
0xc0: {  	[dreg:$0x0] =	wrdreg $0xFFFFFFFF;
	(pc) =	sbr.abs _section_cstart, $3  }
0xc1: {  	[dreg:$0x1] =	wrdreg $0xFFFFFFFF  }
0xc2: {  	_ =	task.clear_ibuf [dreg:s7], $0x2FFFF;
	_ =	strace $0x9FFFFFFF  }
0xc3: {  	(tm) =	ssettm $0x7FFFFFFF  }
tec
execute0_lowered:
.L_overlay_start_1:
0x0: {  	(tag) =	ssettag $0x1  }
0x1: {  	s0 =	rddreg [dreg:$0x0]  }
0x2: {  	s1 =	rddreg [dreg:$0x1];
	s3 =	srdreg.scid  }
0x3: {  	s10 =	stileid.u32;
	s2 =	rddreg [dreg:$0x2];
	s13 =	simm.s32 $0x1000  }
0x4: {  	s14 =	simm.s32 $0x80;
	s15 =	simm.s32 $0x100;
	s17 =	simm.s32 $0x2  }
0x5: {  	s18 =	simm.s32 $0x1;
	s21 =	simm.s32 $0x3;
	s28 =	simm.s32 $0xD80  }
0x6: {  	s29 =	simm.s32 $0xA00;
	s30 =	simm.s32 $0xE00;
	s31 =	simm.s32 $0xA80  }
0x7: {  	s19 =	simm.s32 $0xB80;
	s20 =	simm.s32 $0xF80;
	s5 =	sand.u32 $0x1, s3  }
0x8: {  	s25 =	sshrl.u32 s10, $0x1;
	s3 =	simm.s32 $0x0;
	s6 =	sshll.u32 s10, $0xF  }
0x9: {  	s26 =	sshll.u32 s10, $0x8;
	s24 =	sshll.u32 s10, $0xA;
	s4 =	sadd.s32 s5, s25  }
0xa: {  	[smem:$0x7FF] =	sst s3;
	s7 =	ssub.s32 $0x2, s5;
	s16 =	sshll.u32 s5, $0x9  }
0xb: {  	s4 =	sshll.u32 s4, $0x10;
	_ =	strace $0x80000047;
	s8 =	sshrl.u32 s7, $0x1  }
0xc: {  	v0 =	vmov s16;
	s16 =	simm.s32 $0xF00;
	s4 =	sadd.s32 s6, s4;
	s9 =	ssub.s32 s7, s8  }
0xd: {  	s8 =	sadd.s32 s0, s26;
	s0 =	simm.s32 $0xB00;
	s4 =	sshrl.u32 s4, $0x3  }
0xe: {  	s10 =	sadd.s32 $0x10, s8;
	s1 =	sadd.s32 s4, s1;
	s4 =	sadd.s32 s6, s2  }
0xf: {  	s12 =	smax.u32 s9, $0x1;
	s5 =	sadd.s32 $0x2000, s4;
	s6 =	sadd.s32 $0x4000, s4  }
0x10: {  	v1 =	vimm.f32 $0.0e+00;
	v2 =	vlaneseq.u32;
	s7 =	sadd.s32 $0x6000, s4;
	s11 =	sadd.s32 $0x1000, s1;
	s1 =	simm.s32 $0xE80  }
.LBB2_1:
0x11: {  	s9 =	simm.s32 $0x40;
	s22 =	simm.s32 $0x0  }
.LBB2_2:
0x12: {  	p0 =	sne.s32 s9, $0x7FC0;
	[tilespmem:s22+$0x1000] =	vst v1;
	s22 =	smov.u32 s9;
	s9 =	sadd.s32 $0x40, s9  }
.Ltmp0:
0x13: {  	(pc) =	sbr.rel @p0 .LBB2_2-.Ltmp0, $2  }
0x14: {  	_ =	sdelay $0x2  }
0x15: {  	s22 =	sshra.s32 s22, $0x2  }
0x16: {  	[tilespmem:s22+$0x1000] =	vst v1  }
0x17: {  	[spmem:s4] =	stream.linear.scatter [tilespmem:s13], [sflag:$0x1], $0x2000, $0x38;
	[tilespmem:$0xB000] =	vst v63  }
0x18: {  	_ = 	snop  }
0x19: {  	[spmem:s5] =	stream.linear.scatter [tilespmem:s13], [sflag:$0x1], $0x2000, $0x38;
	[tilespmem:$0xB000] =	vst v63  }
0x1a: {  	_ = 	snop  }
0x1b: {  	[spmem:s6] =	stream.linear.scatter [tilespmem:s13], [sflag:$0x1], $0x2000, $0x38;
	[tilespmem:$0xB000] =	vst v63  }
0x1c: {  	_ = 	snop  }
0x1d: {  	[spmem:s7] =	stream.linear.scatter [tilespmem:s13], [sflag:$0x1], $0x2000, $0x38;
	[tilespmem:$0xB000] =	vst v63  }
0x1e: {  	s9 =	simm.s32 $0x0  }
0x1f: {  	[tilespmem:s9], [sflag:$0x2] =	stream.strided.gather [hbm4b:s8+s14], $0x400, s15, s14, $0x38;
	[tilespmem:$0xB000] =	vst v63  }
0x20: {  	s26 =	simm.s32 $0x400  }
0x21: {  	[tilespmem:s26], [sflag:$0x2] =	stream.strided.gather [hbm4b:s10+s14], $0x400, s15, s14, $0x38;
	[tilespmem:$0xB000] =	vst v63  }
0x22: {  	_ =	swait.ge [sflag:s17], $0x400  }
0x23: {  	[sflag:s17] =	ssyncset.done $0x0  }
0x24: {  	[sflag:s17] =	ssyncadd.s32 $0xFFFFFC00  }
0x25: {  	_ =	swait.ge [sflag:s17], $0x400  }
0x26: {  	[sflag:s17] =	ssyncset.done $0x0  }
0x27: {  	s23 =	simm.s32 $0x0;
	[sflag:s17] =	ssyncadd.s32 $0xFFFFFC00  }
0x28: {  	v3 =	vld [tilespmem:s23+$0x0]  }
0x29: {  	v4 =	vld [tilespmem:s23+$0x400];
	_ =	sdelay $0x4  }
0x2a: {  	v5 =	vsub.s32 v3, v0;
	v3 =	vshll.u32 v4, $0x9  }
0x2b: {  	s22 =	simm.s32 $0x10;
	v3 =	vand.u32 $0xFFFF0000, v3;
	v6 =	vshll.u32 v5, $0x7  }
0x2c: {  	v4 =	vand.u32 $0x7F, v4;
	v6 =	vadd.s32 v6, v3;
	v3 =	vld [tilespmem:s22+$0x0]  }
0x2d: {  	vm0 =	vlt.u32 v5, $0x200;
	v5 =	vor.u32 v4, v6;
	v4 =	vld [tilespmem:s22+$0x400];
	_ =	sdelay $0x1  }
0x2e: {  	v7 =	vor.u32 s24, v2  }
0x2f: {  	s25 =	simm.s32 $0x80;
	s9 =	smov.u32 s24;
	v6 =	vsel vm0, v5, v7;
	v5 =	vsel vm0, $0x3F800000, v1  }
.LBB2_4:
0x30: {  	s26 =	sshra.s32 s25, $0x2;
	[tilespmem:s23+$0x800] =	vst v6;
	p0 =	sne.s32 s25, $0xFC0  }
.Ltmp1:
0x31: {  	s25 =	sadd.s32 $0x40, s25;
	v6 =	vsub.s32 v3, v0;
	v3 =	vld [tilespmem:s26+$0x0];
	v7 =	vshll.u32 v4, $0x9;
	[tilespmem:s23+$0xC00] =	vst v5;
	v5 =	vmov v4;
	(pc) =	sbr.rel @p0 .LBB2_4-.Ltmp1, $4  }
0x32: {  	v8 =	vshll.u32 v6, $0x7;
	s23 =	smov.u32 s22;
	s22 =	smov.u32 s26;
	v4 =	vld [tilespmem:s26+$0x400];
	v7 =	vand.u32 $0xFFFF0000, v7  }
0x33: {  	s9 =	sadd.s32 $0x10, s9;
	v5 =	vand.u32 $0x7F, v5;
	v7 =	vadd.s32 v8, v7  }
0x34: {  	vm0 =	vlt.u32 v6, $0x200;
	v8 =	vor.u32 s9, v2;
	v5 =	vor.u32 v5, v7  }
0x35: {  	v6 =	vsel vm0, v5, v8;
	v5 =	vsel vm0, $0x3F800000, v1  }
0x36: {  	_ = 	snop  }
0x37: {  	v3 =	vsub.s32 v3, v0;
	v7 =	vshll.u32 v4, $0x9  }
0x38: {  	v8 =	vshll.u32 v3, $0x7;
	v7 =	vand.u32 $0xFFFF0000, v7  }
0x39: {  	s9 =	sadd.s32 $0x10, s9;
	[tilespmem:s23+$0x800] =	vst v6;
	v61 =	vand.u32 $0x7F, v4;
	vm0 =	vlt.u32 v3, $0x200;
	v7 =	vadd.s32 v8, v7  }
0x3a: {  	[tilespmem:s23+$0xC00] =	vst v5;
	v62 =	vor.u32 s9, v2;
	v63 =	vsel vm0, $0x3F800000, v1;
	v4 =	vor.u32 v61, v7  }
0x3b: {  	[tilespmem:s22+$0xC00] =	vst v63;
	v3 =	vsel vm0, v4, v62  }
0x3c: {  	[tilespmem:s22+$0x800] =	vst v3  }
0x3d: {  	_ =	swait.ge [sflag:s18], $0x2000  }
0x3e: {  	[sflag:s18] =	ssyncset.done $0x0  }
0x3f: {  	[sflag:s18] =	ssyncadd.s32 $0xFFFFE000  }
0x40: {  	_ =	swait.ge [sflag:s18], $0x2000  }
0x41: {  	[sflag:s18] =	ssyncset.done $0x0  }
0x42: {  	[sflag:s18] =	ssyncadd.s32 $0xFFFFE000  }
0x43: {  	_ =	swait.ge [sflag:s18], $0x2000  }
0x44: {  	[sflag:s18] =	ssyncset.done $0x0  }
0x45: {  	[sflag:s18] =	ssyncadd.s32 $0xFFFFE000  }
0x46: {  	_ =	swait.ge [sflag:s18], $0x2000  }
0x47: {  	[sflag:s18] =	ssyncset.done $0x0  }
0x48: {  	[sflag:s18] =	ssyncadd.s32 $0xFFFFE000  }
0x49: {  	s25 =	simm.s32 $0x800;
	s26 =	simm.s32 $0xC00;
	[bflag:$0x0] =	sbarrier.arrive $0xFFFF  }
0x4a: {  	[spmem:s2] =	stream.indirect.scatter.add.f32 [tilespmem:s26], [sflag:$0x3], $0x1, s25, s14, $0xb8;
	[tilespmem:$0xB000] =	vst v63  }
0x4b: {  	_ =	swait.ge [sflag:s21], $0x80  }
0x4c: {  	[sflag:s21] =	ssyncset.done $0x0  }
0x4d: {  	s23 =	simm.s32 $0xC80;
	s22 =	simm.s32 $0x880;
	[sflag:s21] =	ssyncadd.s32 $0xFFFFFF80  }
0x4e: {  	[spmem:s2] =	stream.indirect.scatter.add.f32 [tilespmem:s23], [sflag:$0x3], $0x1, s22, s14, $0xb8;
	[tilespmem:$0xB000] =	vst v63  }
0x4f: {  	_ =	swait.ge [sflag:s21], $0x80  }
0x50: {  	[sflag:s21] =	ssyncset.done $0x0  }
0x51: {  	s25 =	simm.s32 $0x900;
	s26 =	simm.s32 $0xD00;
	[sflag:s21] =	ssyncadd.s32 $0xFFFFFF80  }
0x52: {  	[spmem:s2] =	stream.indirect.scatter.add.f32 [tilespmem:s26], [sflag:$0x3], $0x1, s25, s14, $0xb8;
	[tilespmem:$0xB000] =	vst v63  }
0x53: {  	_ =	swait.ge [sflag:s21], $0x80  }
0x54: {  	[sflag:s21] =	ssyncset.done $0x0  }
0x55: {  	s23 =	simm.s32 $0x980;
	[sflag:s21] =	ssyncadd.s32 $0xFFFFFF80  }
0x56: {  	[spmem:s2] =	stream.indirect.scatter.add.f32 [tilespmem:s28], [sflag:$0x3], $0x1, s23, s14, $0xb8;
	[tilespmem:$0xB000] =	vst v63  }
0x57: {  	_ =	swait.ge [sflag:s21], $0x80  }
0x58: {  	[sflag:s21] =	ssyncset.done $0x0  }
0x59: {  	[sflag:s21] =	ssyncadd.s32 $0xFFFFFF80  }
0x5a: {  	[spmem:s2] =	stream.indirect.scatter.add.f32 [tilespmem:s30], [sflag:$0x3], $0x1, s29, s14, $0xb8;
	[tilespmem:$0xB000] =	vst v63  }
0x5b: {  	_ =	swait.ge [sflag:s21], $0x80  }
0x5c: {  	[sflag:s21] =	ssyncset.done $0x0  }
0x5d: {  	[sflag:s21] =	ssyncadd.s32 $0xFFFFFF80  }
0x5e: {  	[spmem:s2] =	stream.indirect.scatter.add.f32 [tilespmem:s1], [sflag:$0x3], $0x1, s31, s14, $0xb8;
	[tilespmem:$0xB000] =	vst v63  }
0x5f: {  	_ =	swait.ge [sflag:s21], $0x80  }
0x60: {  	[sflag:s21] =	ssyncset.done $0x0  }
0x61: {  	[sflag:s21] =	ssyncadd.s32 $0xFFFFFF80  }
0x62: {  	[spmem:s2] =	stream.indirect.scatter.add.f32 [tilespmem:s16], [sflag:$0x3], $0x1, s0, s14, $0xb8;
	[tilespmem:$0xB000] =	vst v63  }
0x63: {  	_ =	swait.ge [sflag:s21], $0x80  }
0x64: {  	[sflag:s21] =	ssyncset.done $0x0  }
0x65: {  	[sflag:s21] =	ssyncadd.s32 $0xFFFFFF80  }
0x66: {  	[spmem:s2] =	stream.indirect.scatter.add.f32 [tilespmem:s20], [sflag:$0x3], $0x1, s19, s14, $0xb8;
	[tilespmem:$0xB000] =	vst v63  }
0x67: {  	s3 =	sadd.s32 $0x1, s3;
	_ =	swait.ge [sflag:s21], $0x80  }
0x68: {  	p0 =	sne.s32 s3, s12;
	s25 =	stileid.u32;
	[sflag:s21] =	ssyncset.done $0x0  }
0x69: {  	s26 =	sshrl.u32 s4, $0x3;
	s9 =	sshll.u32 s25, $0x6;
	[sflag:s21] =	ssyncadd.s32 $0xFFFFFF80  }
.Ltmp2:
0x6a: {  	s9 =	sor.u32 $0x1C03, s9;
	[bflag:$0x0] =	sbarrier.arrive $0xFFFF;
	(pc) =	sbr.rel @p0 .LBB2_1-.Ltmp2, $4  }
0x6b: {  	[hbm:s11], [sflag:s9] =	dma.local [spmem:s26], $0x1000  }
0x6c: {  	_ =	swait.ge [sflag:s21], $0x1000  }
0x6d: {  	[sflag:s21] =	ssyncset.done $0x0  }
0x6e: {  	[sflag:s21] =	ssyncadd.s32 $0xFFFFF000  }
0x6f: {  	_ =	sfence.sel $0x180000  }
0x70: {  	[bflag:$0x0] =	sbarrier.arrive $0xFFFF  }
0x71: {  	_ =	strace $0x90000047  }
0x72: {  	s0 =	stileid.u32;
	[bflag:$0x2] =	sbarrier.arrive $0xFFFF  }
0x73: {  	p0 =	sne.s32 s0, $0x0;
	s0 =	rddreg [dreg:$0x3]  }
0x74: {  	s0 =	sadd.s32 @!p0 $0x100000, s0  }
0x75: {  	[sflag:s0] =	ssyncadd.tile.s32 @!p0 $0x1;
	_ =	shalt  }
.Lfunc_end2:
_tile_overlayer_lowered:
.L_overlay_start_2:
0x76: {  	(tag) =	ssettag $0x2  }
0x77: {  	s0 =	rddreg [dreg:$0x0];
	s2 =	stileid.u32  }
0x78: {  	s1 =	rddreg [dreg:$0x1];
	p0 =	sne.s32 s2, $0x0  }
0x79: {  	s3 =	rddreg [dreg:$0x2];
	[bflag:$0x3] =	sbarrier.arrive $0xFFFF;
	s2 =	simm.s32 @!p0 $0x1C03  }
0x7a: {  	[timem:s3], [sflag:s2] =	dma.local @!p0 [hbm:s0], s1  }
0x7b: {  	s0 =	simm.s32 @!p0 $0x3  }
0x7c: {  	_ =	swait.ge @!p0 [sflag:s0], s1  }
0x7d: {  	s1 =	ssub.s32 @!p0 $0x0, s1;
	[sflag:s0] =	ssyncset.done @!p0 $0x0  }
0x7e: {  	[sflag:s0] =	ssyncadd.s32 @!p0 s1  }
0x7f: {  	[bflag:$0x3] =	sbarrier.arrive $0xFFFF  }
0x80: {  	_ =	shalt  }

</sc_bundles>
